<compile_context>
chip_gen: v7x
topology: tpu7x:2x2x1
jax: 0.10.2.dev20260603
libtpu: 0.0.44.dev20260713+nightly
codegen_flags: <defaults>
</compile_context>

<pallas_src>
import functools

import jax
import jax.numpy as jnp
from jax import lax
from jax.experimental import pallas as pl
from jax.experimental.pallas import tpu as pltpu
from jax.experimental.pallas import tpu_sc as plsc

_EMBED = [(33, 17), (2, 1), (8, 4), (3, 2), (3, 2), (3, 2), (3, 2), (3, 2), (20, 10)]
_FOFF = [0, 561, 563, 595, 601, 607, 613, 619, 625]
_B = 16384
_BLK = 2048
_NE = 48
_NW = 32
_BPW = _B // _NW
_CHUNK = 16
_NCHUNK = _BPW // _CHUNK

_COL_TAB = []
for _i, (_v, _d) in enumerate(_EMBED):
    for _c in range(_d):
        _COL_TAB.append((_FOFF[_i] + _c, _d, _i))


def _sc_body(t1d_hbm, i0, i1, i2, i3, i4, i5, i6, i7, i8, out_hbm,
             t1d_v, iv0, iv1, iv2, iv3, iv4, iv5, iv6, iv7, iv8, e_v):
    idx_hbm = [i0, i1, i2, i3, i4, i5, i6, i7, i8]
    iv = [iv0, iv1, iv2, iv3, iv4, iv5, iv6, iv7, iv8]
    wid = lax.axis_index("s") * 2 + lax.axis_index("c")
    base = wid * _BPW
    pltpu.sync_copy(t1d_hbm, t1d_v)
    for i in range(9):
        pltpu.sync_copy(idx_hbm[i].at[pl.ds(base, _BPW)], iv[i])

    lane = lax.broadcasted_iota(jnp.int32, (16,), 0)

    def chunk(k, carry):
        rowid = lane + k * _CHUNK
        idxv = [iv[i][pl.ds(k * _CHUNK, _CHUNK)] for i in range(9)]
        for j, (fb, d, i) in enumerate(_COL_TAB):
            addr = idxv[i] * d + fb
            vals = plsc.load_gather(t1d_v, [addr])
            jcol = jnp.full((16,), j, jnp.int32)
            plsc.store_scatter(e_v, [rowid, jcol], vals)
        return carry

    lax.fori_loop(0, _NCHUNK, chunk, 0)
    pltpu.sync_copy(e_v, out_hbm.at[pl.ds(base, _BPW)])


def _sc_gather(t1d, idxs):
    mesh = plsc.VectorSubcoreMesh(core_axis_name="c", subcore_axis_name="s")
    f = pl.kernel(
        _sc_body, mesh=mesh,
        compiler_params=pltpu.CompilerParams(needs_layout_passes=False),
        out_type=jax.ShapeDtypeStruct((_B, _NE), jnp.float32),
        scratch_types=(
            [pltpu.VMEM((1024,), jnp.float32)]
            + [pltpu.VMEM((_BPW,), jnp.int32) for _ in range(9)]
            + [pltpu.VMEM((_BPW, _NE), jnp.float32)]
        ),
    )
    return f(t1d, *idxs)


def _tc_body(e_ref, cont_ref, cont1_ref, wt_ref, wc_ref, bias_ref,
             gamma_ref, beta_ref, out_ref):
    c = cont_ref[...]
    mean = jnp.mean(c)
    var = jnp.mean(c * c) - mean * mean
    inv = jax.lax.rsqrt(var + 1e-5)
    cn = (cont1_ref[...] - mean) * inv * gamma_ref[...] + beta_ref[...]

    e = e_ref[...].astype(jnp.bfloat16)
    z = jnp.dot(e, wt_ref[...], preferred_element_type=jnp.float32)
    z = z + jax.lax.dot_general(cn, wc_ref[...],
                                dimension_numbers=(((0,), (0,)), ((), ())),
                                preferred_element_type=jnp.float32)
    z = z + bias_ref[...]
    mx = jnp.max(z, axis=1, keepdims=True)
    ex = jnp.exp(z - mx)
    out_ref[...] = ex / jnp.sum(ex, axis=1, keepdims=True)


def kernel(x, emb0, emb1, emb2, emb3, emb4, emb5, emb6, emb7, emb8, W, b,
           gamma, beta):
    tables = [emb0, emb1, emb2, emb3, emb4, emb5, emb6, emb7, emb8]
    t1d = jnp.concatenate([t.reshape(-1) for t in tables]
                          + [jnp.zeros((1024 - 825,), jnp.float32)])
    idxs = [x[:, 1 + i].astype(jnp.int32) for i in range(9)]

    e = _sc_gather(t1d, idxs)

    wt = jnp.zeros((_NE, 256), jnp.float32).at[:42, :].set(W[:, :42].T)
    cont_full = x[:, 0].reshape(8, 2048)
    cont1 = x[:, 0].reshape(1, _B)
    grid = _B // _BLK

    out = pl.pallas_call(
        _tc_body,
        grid=(grid,),
        in_specs=[
            pl.BlockSpec((_BLK, _NE), lambda j: (j, 0)),
            pl.BlockSpec((8, 2048), lambda j: (0, 0)),
            pl.BlockSpec((1, _BLK), lambda j: (0, j)),
            pl.BlockSpec((_NE, 256), lambda j: (0, 0)),
            pl.BlockSpec((1, 256), lambda j: (0, 0)),
            pl.BlockSpec((1, 256), lambda j: (0, 0)),
            pl.BlockSpec((1, 1), lambda j: (0, 0)),
            pl.BlockSpec((1, 1), lambda j: (0, 0)),
        ],
        out_specs=pl.BlockSpec((_BLK, 256), lambda j: (j, 0)),
        out_shape=jax.ShapeDtypeStruct((_B, 256), jnp.float32),
    )(e, cont_full, cont1, wt.astype(jnp.bfloat16), W[:, 42].reshape(1, 256),
      b.reshape(1, 256), gamma.reshape(1, 1), beta.reshape(1, 1))
    return out

# --- scband reference (transcript-rebuilt; emitter-appended) ---
"""Pipeline reference for scband-clinical-net-18124761989155 (READ-ONLY COPY).

The authoritative reference and input builder live on the scoring server;
editing this copy changes nothing except your own understanding.
"""

import jax, jax.numpy as jnp
import numpy as np

EMBED_DIMS = [(33, 17), (2, 1), (8, 4), (3, 2), (3, 2), (3, 2), (3, 2), (3, 2), (20, 10)]
B = 16384
N_EMB = sum(d for _, d in EMBED_DIMS)  # 42
D_OUT = 256


def setup_inputs(seed: int = 0) -> dict:
    key = jax.random.key(seed)
    kc, kcat = jax.random.split(key)
    cont = jax.random.normal(kc, (B, 1), dtype=jnp.float32)
    # categorical columns, each in-range for its own vocabulary
    cats = []
    for i, (v, _) in enumerate(EMBED_DIMS):
        cats.append(jax.random.randint(jax.random.fold_in(kcat, i), (B, 1), 0, v))
    cat = jnp.concatenate(cats, axis=1).astype(jnp.float32)
    x = jnp.concatenate([cont, cat], axis=1)
    inp = {"x": x}
    for i, (v, d) in enumerate(EMBED_DIMS):
        inp[f"emb{i}"] = jax.random.normal(jax.random.fold_in(key, 100 + i), (v, d), dtype=jnp.float32)
    inp["W"] = jax.random.normal(jax.random.fold_in(key, 500), (D_OUT, N_EMB + 1), dtype=jnp.float32) * 0.05
    inp["b"] = jnp.zeros((D_OUT,), dtype=jnp.float32)
    inp["gamma"] = jnp.ones((1,), dtype=jnp.float32)
    inp["beta"] = jnp.zeros((1,), dtype=jnp.float32)
    return inp


def reference(x, emb0, emb1, emb2, emb3, emb4, emb5, emb6, emb7, emb8, W, b, gamma, beta):
    tables = [emb0, emb1, emb2, emb3, emb4, emb5, emb6, emb7, emb8]
    continuous_x = x[:, :1]
    categorical_x = x[:, 1:].astype(jnp.int32)
    embs = [jnp.take(t, categorical_x[:, i], axis=0) for i, t in enumerate(tables)]
    e = jnp.concatenate(embs, axis=1)
    # dropout in eval mode -> identity
    # BatchNorm1d in training mode (batch statistics, biased variance, eps=1e-5)
    mean = jnp.mean(continuous_x, axis=0, keepdims=True)
    var = jnp.var(continuous_x, axis=0, keepdims=True)
    cn = (continuous_x - mean) / jnp.sqrt(var + 1e-5) * gamma + beta
    h = jnp.concatenate([e, cn], axis=1)
    z = h @ W.T + b
    return jax.nn.softmax(z, axis=1)

if __name__ == "__main__":
    import jax
    _d = setup_inputs()
    print(jax.jit(kernel)(*tuple(_d.values())))

</pallas_src>

<mosaic_0001>
#map = affine_map<(d0, d1) -> (0)>
#map1 = affine_map<(d0, d1) -> (0, 0)>
module attributes {stable_mosaic.version = 14 : i64} {
  func.func @_sc_body(%arg0: i32, %arg1: i32, %arg2: memref<1024xf32, #tpu.memory_space<hbm>>, %arg3: memref<16384xi32, #tpu.memory_space<hbm>>, %arg4: memref<16384xi32, #tpu.memory_space<hbm>>, %arg5: memref<16384xi32, #tpu.memory_space<hbm>>, %arg6: memref<16384xi32, #tpu.memory_space<hbm>>, %arg7: memref<16384xi32, #tpu.memory_space<hbm>>, %arg8: memref<16384xi32, #tpu.memory_space<hbm>>, %arg9: memref<16384xi32, #tpu.memory_space<hbm>>, %arg10: memref<16384xi32, #tpu.memory_space<hbm>>, %arg11: memref<16384xi32, #tpu.memory_space<hbm>>, %arg12: memref<16384x48xf32, #tpu.memory_space<hbm>>, %arg13: memref<1024xf32, #tpu.memory_space<vmem>>, %arg14: memref<512xi32, #tpu.memory_space<vmem>>, %arg15: memref<512xi32, #tpu.memory_space<vmem>>, %arg16: memref<512xi32, #tpu.memory_space<vmem>>, %arg17: memref<512xi32, #tpu.memory_space<vmem>>, %arg18: memref<512xi32, #tpu.memory_space<vmem>>, %arg19: memref<512xi32, #tpu.memory_space<vmem>>, %arg20: memref<512xi32, #tpu.memory_space<vmem>>, %arg21: memref<512xi32, #tpu.memory_space<vmem>>, %arg22: memref<512xi32, #tpu.memory_space<vmem>>, %arg23: memref<512x48xf32, #tpu.memory_space<vmem>>) attributes {dimension_semantics = [#tpu.dimension_semantics<core_parallel>, #tpu.dimension_semantics<subcore_parallel>], iteration_bounds = array<i64: 2, 16>, scalar_prefetch = 0 : i64, scratch_operands = 11 : i64, tpu.core_type = #tpu.core_type<sc_vector_subcore>, window_params = [{transform_indices = #map}, {transform_indices = #map}, {transform_indices = #map}, {transform_indices = #map}, {transform_indices = #map}, {transform_indices = #map}, {transform_indices = #map}, {transform_indices = #map}, {transform_indices = #map}, {transform_indices = #map}, {transform_indices = #map1}]} {
    %mul3A = arith.constant 2 : i32
    %mul3A_0 = arith.muli %arg1, %mul3A : i32
    %add3A = arith.addi %mul3A_0, %arg0 : i32
    %mul3A_1 = arith.constant 512 : i32
    %mul3A_2 = arith.muli %add3A, %mul3A_1 : i32
    "tpu.region"() ({
      %run_scoped3A = tpu.sem_alloc : memref<!tpu.dma_semaphore, #tpu.memory_space<semaphore_mem>>
      tpu.enqueue_dma source(%arg2 : memref<1024xf32, #tpu.memory_space<hbm>>) target(%arg13 : memref<1024xf32, #tpu.memory_space<vmem>>) target_semaphore(%run_scoped3A : memref<!tpu.dma_semaphore, #tpu.memory_space<semaphore_mem>>)
      tpu.wait_dma2 semaphore(%run_scoped3A : memref<!tpu.dma_semaphore, #tpu.memory_space<semaphore_mem>>) src(%arg2 : memref<1024xf32, #tpu.memory_space<hbm>>) dst(%arg13 : memref<1024xf32, #tpu.memory_space<vmem>>)
      tpu.yield
    }) : () -> ()
    "tpu.region"() ({
      %run_scoped3A = tpu.sem_alloc : memref<!tpu.dma_semaphore, #tpu.memory_space<semaphore_mem>>
      %dma_start3A = tpu.memref_slice %arg3[%mul3A_2] : memref<16384xi32, #tpu.memory_space<hbm>> -> memref<512xi32, #tpu.memory_space<hbm>>
      %dma_start3A_8 = tpu.memref_slice %arg3[%mul3A_2] : memref<16384xi32, #tpu.memory_space<hbm>> -> memref<512xi32, #tpu.memory_space<hbm>>
      tpu.enqueue_dma source(%dma_start3A_8 : memref<512xi32, #tpu.memory_space<hbm>>) target(%arg14 : memref<512xi32, #tpu.memory_space<vmem>>) target_semaphore(%run_scoped3A : memref<!tpu.dma_semaphore, #tpu.memory_space<semaphore_mem>>)
      %dma_wait3A = tpu.memref_slice %arg3[%mul3A_2] : memref<16384xi32, #tpu.memory_space<hbm>> -> memref<512xi32, #tpu.memory_space<hbm>>
      %dma_wait3A_9 = tpu.memref_slice %arg3[%mul3A_2] : memref<16384xi32, #tpu.memory_space<hbm>> -> memref<512xi32, #tpu.memory_space<hbm>>
      tpu.wait_dma2 semaphore(%run_scoped3A : memref<!tpu.dma_semaphore, #tpu.memory_space<semaphore_mem>>) src(%dma_wait3A_9 : memref<512xi32, #tpu.memory_space<hbm>>) dst(%arg14 : memref<512xi32, #tpu.memory_space<vmem>>)
      tpu.yield
    }) : () -> ()
    "tpu.region"() ({
      %run_scoped3A = tpu.sem_alloc : memref<!tpu.dma_semaphore, #tpu.memory_space<semaphore_mem>>
      %dma_start3A = tpu.memref_slice %arg4[%mul3A_2] : memref<16384xi32, #tpu.memory_space<hbm>> -> memref<512xi32, #tpu.memory_space<hbm>>
      %dma_start3A_8 = tpu.memref_slice %arg4[%mul3A_2] : memref<16384xi32, #tpu.memory_space<hbm>> -> memref<512xi32, #tpu.memory_space<hbm>>
      tpu.enqueue_dma source(%dma_start3A_8 : memref<512xi32, #tpu.memory_space<hbm>>) target(%arg15 : memref<512xi32, #tpu.memory_space<vmem>>) target_semaphore(%run_scoped3A : memref<!tpu.dma_semaphore, #tpu.memory_space<semaphore_mem>>)
      %dma_wait3A = tpu.memref_slice %arg4[%mul3A_2] : memref<16384xi32, #tpu.memory_space<hbm>> -> memref<512xi32, #tpu.memory_space<hbm>>
      %dma_wait3A_9 = tpu.memref_slice %arg4[%mul3A_2] : memref<16384xi32, #tpu.memory_space<hbm>> -> memref<512xi32, #tpu.memory_space<hbm>>
      tpu.wait_dma2 semaphore(%run_scoped3A : memref<!tpu.dma_semaphore, #tpu.memory_space<semaphore_mem>>) src(%dma_wait3A_9 : memref<512xi32, #tpu.memory_space<hbm>>) dst(%arg15 : memref<512xi32, #tpu.memory_space<vmem>>)
      tpu.yield
    }) : () -> ()
    "tpu.region"() ({
      %run_scoped3A = tpu.sem_alloc : memref<!tpu.dma_semaphore, #tpu.memory_space<semaphore_mem>>
      %dma_start3A = tpu.memref_slice %arg5[%mul3A_2] : memref<16384xi32, #tpu.memory_space<hbm>> -> memref<512xi32, #tpu.memory_space<hbm>>
      %dma_start3A_8 = tpu.memref_slice %arg5[%mul3A_2] : memref<16384xi32, #tpu.memory_space<hbm>> -> memref<512xi32, #tpu.memory_space<hbm>>
      tpu.enqueue_dma source(%dma_start3A_8 : memref<512xi32, #tpu.memory_space<hbm>>) target(%arg16 : memref<512xi32, #tpu.memory_space<vmem>>) target_semaphore(%run_scoped3A : memref<!tpu.dma_semaphore, #tpu.memory_space<semaphore_mem>>)
      %dma_wait3A = tpu.memref_slice %arg5[%mul3A_2] : memref<16384xi32, #tpu.memory_space<hbm>> -> memref<512xi32, #tpu.memory_space<hbm>>
      %dma_wait3A_9 = tpu.memref_slice %arg5[%mul3A_2] : memref<16384xi32, #tpu.memory_space<hbm>> -> memref<512xi32, #tpu.memory_space<hbm>>
      tpu.wait_dma2 semaphore(%run_scoped3A : memref<!tpu.dma_semaphore, #tpu.memory_space<semaphore_mem>>) src(%dma_wait3A_9 : memref<512xi32, #tpu.memory_space<hbm>>) dst(%arg16 : memref<512xi32, #tpu.memory_space<vmem>>)
      tpu.yield
    }) : () -> ()
    "tpu.region"() ({
      %run_scoped3A = tpu.sem_alloc : memref<!tpu.dma_semaphore, #tpu.memory_space<semaphore_mem>>
      %dma_start3A = tpu.memref_slice %arg6[%mul3A_2] : memref<16384xi32, #tpu.memory_space<hbm>> -> memref<512xi32, #tpu.memory_space<hbm>>
      %dma_start3A_8 = tpu.memref_slice %arg6[%mul3A_2] : memref<16384xi32, #tpu.memory_space<hbm>> -> memref<512xi32, #tpu.memory_space<hbm>>
      tpu.enqueue_dma source(%dma_start3A_8 : memref<512xi32, #tpu.memory_space<hbm>>) target(%arg17 : memref<512xi32, #tpu.memory_space<vmem>>) target_semaphore(%run_scoped3A : memref<!tpu.dma_semaphore, #tpu.memory_space<semaphore_mem>>)
      %dma_wait3A = tpu.memref_slice %arg6[%mul3A_2] : memref<16384xi32, #tpu.memory_space<hbm>> -> memref<512xi32, #tpu.memory_space<hbm>>
      %dma_wait3A_9 = tpu.memref_slice %arg6[%mul3A_2] : memref<16384xi32, #tpu.memory_space<hbm>> -> memref<512xi32, #tpu.memory_space<hbm>>
      tpu.wait_dma2 semaphore(%run_scoped3A : memref<!tpu.dma_semaphore, #tpu.memory_space<semaphore_mem>>) src(%dma_wait3A_9 : memref<512xi32, #tpu.memory_space<hbm>>) dst(%arg17 : memref<512xi32, #tpu.memory_space<vmem>>)
      tpu.yield
    }) : () -> ()
    "tpu.region"() ({
      %run_scoped3A = tpu.sem_alloc : memref<!tpu.dma_semaphore, #tpu.memory_space<semaphore_mem>>
      %dma_start3A = tpu.memref_slice %arg7[%mul3A_2] : memref<16384xi32, #tpu.memory_space<hbm>> -> memref<512xi32, #tpu.memory_space<hbm>>
      %dma_start3A_8 = tpu.memref_slice %arg7[%mul3A_2] : memref<16384xi32, #tpu.memory_space<hbm>> -> memref<512xi32, #tpu.memory_space<hbm>>
      tpu.enqueue_dma source(%dma_start3A_8 : memref<512xi32, #tpu.memory_space<hbm>>) target(%arg18 : memref<512xi32, #tpu.memory_space<vmem>>) target_semaphore(%run_scoped3A : memref<!tpu.dma_semaphore, #tpu.memory_space<semaphore_mem>>)
      %dma_wait3A = tpu.memref_slice %arg7[%mul3A_2] : memref<16384xi32, #tpu.memory_space<hbm>> -> memref<512xi32, #tpu.memory_space<hbm>>
      %dma_wait3A_9 = tpu.memref_slice %arg7[%mul3A_2] : memref<16384xi32, #tpu.memory_space<hbm>> -> memref<512xi32, #tpu.memory_space<hbm>>
      tpu.wait_dma2 semaphore(%run_scoped3A : memref<!tpu.dma_semaphore, #tpu.memory_space<semaphore_mem>>) src(%dma_wait3A_9 : memref<512xi32, #tpu.memory_space<hbm>>) dst(%arg18 : memref<512xi32, #tpu.memory_space<vmem>>)
      tpu.yield
    }) : () -> ()
    "tpu.region"() ({
      %run_scoped3A = tpu.sem_alloc : memref<!tpu.dma_semaphore, #tpu.memory_space<semaphore_mem>>
      %dma_start3A = tpu.memref_slice %arg8[%mul3A_2] : memref<16384xi32, #tpu.memory_space<hbm>> -> memref<512xi32, #tpu.memory_space<hbm>>
      %dma_start3A_8 = tpu.memref_slice %arg8[%mul3A_2] : memref<16384xi32, #tpu.memory_space<hbm>> -> memref<512xi32, #tpu.memory_space<hbm>>
      tpu.enqueue_dma source(%dma_start3A_8 : memref<512xi32, #tpu.memory_space<hbm>>) target(%arg19 : memref<512xi32, #tpu.memory_space<vmem>>) target_semaphore(%run_scoped3A : memref<!tpu.dma_semaphore, #tpu.memory_space<semaphore_mem>>)
      %dma_wait3A = tpu.memref_slice %arg8[%mul3A_2] : memref<16384xi32, #tpu.memory_space<hbm>> -> memref<512xi32, #tpu.memory_space<hbm>>
      %dma_wait3A_9 = tpu.memref_slice %arg8[%mul3A_2] : memref<16384xi32, #tpu.memory_space<hbm>> -> memref<512xi32, #tpu.memory_space<hbm>>
      tpu.wait_dma2 semaphore(%run_scoped3A : memref<!tpu.dma_semaphore, #tpu.memory_space<semaphore_mem>>) src(%dma_wait3A_9 : memref<512xi32, #tpu.memory_space<hbm>>) dst(%arg19 : memref<512xi32, #tpu.memory_space<vmem>>)
      tpu.yield
    }) : () -> ()
    "tpu.region"() ({
      %run_scoped3A = tpu.sem_alloc : memref<!tpu.dma_semaphore, #tpu.memory_space<semaphore_mem>>
      %dma_start3A = tpu.memref_slice %arg9[%mul3A_2] : memref<16384xi32, #tpu.memory_space<hbm>> -> memref<512xi32, #tpu.memory_space<hbm>>
      %dma_start3A_8 = tpu.memref_slice %arg9[%mul3A_2] : memref<16384xi32, #tpu.memory_space<hbm>> -> memref<512xi32, #tpu.memory_space<hbm>>
      tpu.enqueue_dma source(%dma_start3A_8 : memref<512xi32, #tpu.memory_space<hbm>>) target(%arg20 : memref<512xi32, #tpu.memory_space<vmem>>) target_semaphore(%run_scoped3A : memref<!tpu.dma_semaphore, #tpu.memory_space<semaphore_mem>>)
      %dma_wait3A = tpu.memref_slice %arg9[%mul3A_2] : memref<16384xi32, #tpu.memory_space<hbm>> -> memref<512xi32, #tpu.memory_space<hbm>>
      %dma_wait3A_9 = tpu.memref_slice %arg9[%mul3A_2] : memref<16384xi32, #tpu.memory_space<hbm>> -> memref<512xi32, #tpu.memory_space<hbm>>
      tpu.wait_dma2 semaphore(%run_scoped3A : memref<!tpu.dma_semaphore, #tpu.memory_space<semaphore_mem>>) src(%dma_wait3A_9 : memref<512xi32, #tpu.memory_space<hbm>>) dst(%arg20 : memref<512xi32, #tpu.memory_space<vmem>>)
      tpu.yield
    }) : () -> ()
    "tpu.region"() ({
      %run_scoped3A = tpu.sem_alloc : memref<!tpu.dma_semaphore, #tpu.memory_space<semaphore_mem>>
      %dma_start3A = tpu.memref_slice %arg10[%mul3A_2] : memref<16384xi32, #tpu.memory_space<hbm>> -> memref<512xi32, #tpu.memory_space<hbm>>
      %dma_start3A_8 = tpu.memref_slice %arg10[%mul3A_2] : memref<16384xi32, #tpu.memory_space<hbm>> -> memref<512xi32, #tpu.memory_space<hbm>>
      tpu.enqueue_dma source(%dma_start3A_8 : memref<512xi32, #tpu.memory_space<hbm>>) target(%arg21 : memref<512xi32, #tpu.memory_space<vmem>>) target_semaphore(%run_scoped3A : memref<!tpu.dma_semaphore, #tpu.memory_space<semaphore_mem>>)
      %dma_wait3A = tpu.memref_slice %arg10[%mul3A_2] : memref<16384xi32, #tpu.memory_space<hbm>> -> memref<512xi32, #tpu.memory_space<hbm>>
      %dma_wait3A_9 = tpu.memref_slice %arg10[%mul3A_2] : memref<16384xi32, #tpu.memory_space<hbm>> -> memref<512xi32, #tpu.memory_space<hbm>>
      tpu.wait_dma2 semaphore(%run_scoped3A : memref<!tpu.dma_semaphore, #tpu.memory_space<semaphore_mem>>) src(%dma_wait3A_9 : memref<512xi32, #tpu.memory_space<hbm>>) dst(%arg21 : memref<512xi32, #tpu.memory_space<vmem>>)
      tpu.yield
    }) : () -> ()
    "tpu.region"() ({
      %run_scoped3A = tpu.sem_alloc : memref<!tpu.dma_semaphore, #tpu.memory_space<semaphore_mem>>
      %dma_start3A = tpu.memref_slice %arg11[%mul3A_2] : memref<16384xi32, #tpu.memory_space<hbm>> -> memref<512xi32, #tpu.memory_space<hbm>>
      %dma_start3A_8 = tpu.memref_slice %arg11[%mul3A_2] : memref<16384xi32, #tpu.memory_space<hbm>> -> memref<512xi32, #tpu.memory_space<hbm>>
      tpu.enqueue_dma source(%dma_start3A_8 : memref<512xi32, #tpu.memory_space<hbm>>) target(%arg22 : memref<512xi32, #tpu.memory_space<vmem>>) target_semaphore(%run_scoped3A : memref<!tpu.dma_semaphore, #tpu.memory_space<semaphore_mem>>)
      %dma_wait3A = tpu.memref_slice %arg11[%mul3A_2] : memref<16384xi32, #tpu.memory_space<hbm>> -> memref<512xi32, #tpu.memory_space<hbm>>
      %dma_wait3A_9 = tpu.memref_slice %arg11[%mul3A_2] : memref<16384xi32, #tpu.memory_space<hbm>> -> memref<512xi32, #tpu.memory_space<hbm>>
      tpu.wait_dma2 semaphore(%run_scoped3A : memref<!tpu.dma_semaphore, #tpu.memory_space<semaphore_mem>>) src(%dma_wait3A_9 : memref<512xi32, #tpu.memory_space<hbm>>) dst(%arg22 : memref<512xi32, #tpu.memory_space<vmem>>)
      tpu.yield
    }) : () -> ()
    %iota3A = tpu.iota {dimensions = array<i32: 0>} : vector<16xi32>
    %scan3A = arith.constant 0 : i32
    %scan3A_3 = arith.constant 0 : i32
    %scan3A_4 = arith.constant 32 : i32
    %scan3A_5 = arith.addi %scan3A_3, %scan3A_4 : i32
    %scan3A_6 = arith.constant 1 : i32
    scf.for %scan3A_8 = %scan3A_3 to %scan3A_5 step %scan3A_6  : i32 {
      %mul3A_9 = arith.constant 16 : i32
      %mul3A_10 = arith.muli %scan3A_8, %mul3A_9 : i32
      %add3A_11 = vector.broadcast %mul3A_10 : i32 to vector<16xi32>
      %add3A_12 = arith.addi %iota3A, %add3A_11 : vector<16xi32>
      %mul3A_13 = arith.constant 16 : i32
      %mul3A_14 = arith.muli %scan3A_8, %mul3A_13 : i32
      %get3A = arith.index_cast %mul3A_14 : i32 to index
      %get3A_15 = tpu.vector_load %arg14[%get3A] {strides = array<i32>} : memref<512xi32, #tpu.memory_space<vmem>>, vector<16xi32>,
      %mul3A_16 = arith.constant 16 : i32
      %mul3A_17 = arith.muli %scan3A_8, %mul3A_16 : i32
      %get3A_18 = arith.index_cast %mul3A_17 : i32 to index
      %get3A_19 = tpu.vector_load %arg15[%get3A_18] {strides = array<i32>} : memref<512xi32, #tpu.memory_space<vmem>>, vector<16xi32>,
      %mul3A_20 = arith.constant 16 : i32
      %mul3A_21 = arith.muli %scan3A_8, %mul3A_20 : i32
      %get3A_22 = arith.index_cast %mul3A_21 : i32 to index
      %get3A_23 = tpu.vector_load %arg16[%get3A_22] {strides = array<i32>} : memref<512xi32, #tpu.memory_space<vmem>>, vector<16xi32>,
      %mul3A_24 = arith.constant 16 : i32
      %mul3A_25 = arith.muli %scan3A_8, %mul3A_24 : i32
      %get3A_26 = arith.index_cast %mul3A_25 : i32 to index
      %get3A_27 = tpu.vector_load %arg17[%get3A_26] {strides = array<i32>} : memref<512xi32, #tpu.memory_space<vmem>>, vector<16xi32>,
      %mul3A_28 = arith.constant 16 : i32
      %mul3A_29 = arith.muli %scan3A_8, %mul3A_28 : i32
      %get3A_30 = arith.index_cast %mul3A_29 : i32 to index
      %get3A_31 = tpu.vector_load %arg18[%get3A_30] {strides = array<i32>} : memref<512xi32, #tpu.memory_space<vmem>>, vector<16xi32>,
      %mul3A_32 = arith.constant 16 : i32
      %mul3A_33 = arith.muli %scan3A_8, %mul3A_32 : i32
      %get3A_34 = arith.index_cast %mul3A_33 : i32 to index
      %get3A_35 = tpu.vector_load %arg19[%get3A_34] {strides = array<i32>} : memref<512xi32, #tpu.memory_space<vmem>>, vector<16xi32>,
      %mul3A_36 = arith.constant 16 : i32
      %mul3A_37 = arith.muli %scan3A_8, %mul3A_36 : i32
      %get3A_38 = arith.index_cast %mul3A_37 : i32 to index
      %get3A_39 = tpu.vector_load %arg20[%get3A_38] {strides = array<i32>} : memref<512xi32, #tpu.memory_space<vmem>>, vector<16xi32>,
      %mul3A_40 = arith.constant 16 : i32
      %mul3A_41 = arith.muli %scan3A_8, %mul3A_40 : i32
      %get3A_42 = arith.index_cast %mul3A_41 : i32 to index
      %get3A_43 = tpu.vector_load %arg21[%get3A_42] {strides = array<i32>} : memref<512xi32, #tpu.memory_space<vmem>>, vector<16xi32>,
      %mul3A_44 = arith.constant 16 : i32
      %mul3A_45 = arith.muli %scan3A_8, %mul3A_44 : i32
      %get3A_46 = arith.index_cast %mul3A_45 : i32 to index
      %get3A_47 = tpu.vector_load %arg22[%get3A_46] {strides = array<i32>} : memref<512xi32, #tpu.memory_space<vmem>>, vector<16xi32>,
      %mul3A_48 = arith.constant 17 : i32
      %mul3A_49 = vector.broadcast %mul3A_48 : i32 to vector<16xi32>
      %mul3A_50 = arith.muli %get3A_15, %mul3A_49 : vector<16xi32>
      %add3A_51 = arith.constant 0 : i32
      %add3A_52 = vector.broadcast %add3A_51 : i32 to vector<16xi32>
      %add3A_53 = arith.addi %mul3A_50, %add3A_52 : vector<16xi32>
      %gather3A = tpu.vector_load_idx %arg13[%add3A_53] : memref<1024xf32, #tpu.memory_space<vmem>>[vector<16xi32>], vector<16xf32>,
      %broadcast_in_dim3A = arith.constant 0 : i32
      %broadcast_in_dim3A_54 = vector.broadcast %broadcast_in_dim3A : i32 to vector<16xi32>
      tpu.vector_store_idx %arg23[%add3A_12, %broadcast_in_dim3A_54], %gather3A : memref<512x48xf32, #tpu.memory_space<vmem>>[vector<16xi32>, vector<16xi32>], vector<16xf32>,
      %mul3A_55 = arith.constant 17 : i32
      %mul3A_56 = vector.broadcast %mul3A_55 : i32 to vector<16xi32>
      %mul3A_57 = arith.muli %get3A_15, %mul3A_56 : vector<16xi32>
      %add3A_58 = arith.constant 1 : i32
      %add3A_59 = vector.broadcast %add3A_58 : i32 to vector<16xi32>
      %add3A_60 = arith.addi %mul3A_57, %add3A_59 : vector<16xi32>
      %gather3A_61 = tpu.vector_load_idx %arg13[%add3A_60] : memref<1024xf32, #tpu.memory_space<vmem>>[vector<16xi32>], vector<16xf32>,
      %broadcast_in_dim3A_62 = arith.constant 1 : i32
      %broadcast_in_dim3A_63 = vector.broadcast %broadcast_in_dim3A_62 : i32 to vector<16xi32>
      tpu.vector_store_idx %arg23[%add3A_12, %broadcast_in_dim3A_63], %gather3A_61 : memref<512x48xf32, #tpu.memory_space<vmem>>[vector<16xi32>, vector<16xi32>], vector<16xf32>,
      %mul3A_64 = arith.constant 17 : i32
      %mul3A_65 = vector.broadcast %mul3A_64 : i32 to vector<16xi32>
      %mul3A_66 = arith.muli %get3A_15, %mul3A_65 : vector<16xi32>
      %add3A_67 = arith.constant 2 : i32
      %add3A_68 = vector.broadcast %add3A_67 : i32 to vector<16xi32>
      %add3A_69 = arith.addi %mul3A_66, %add3A_68 : vector<16xi32>
      %gather3A_70 = tpu.vector_load_idx %arg13[%add3A_69] : memref<1024xf32, #tpu.memory_space<vmem>>[vector<16xi32>], vector<16xf32>,
      %broadcast_in_dim3A_71 = arith.constant 2 : i32
      %broadcast_in_dim3A_72 = vector.broadcast %broadcast_in_dim3A_71 : i32 to vector<16xi32>
      tpu.vector_store_idx %arg23[%add3A_12, %broadcast_in_dim3A_72], %gather3A_70 : memref<512x48xf32, #tpu.memory_space<vmem>>[vector<16xi32>, vector<16xi32>], vector<16xf32>,
      %mul3A_73 = arith.constant 17 : i32
      %mul3A_74 = vector.broadcast %mul3A_73 : i32 to vector<16xi32>
      %mul3A_75 = arith.muli %get3A_15, %mul3A_74 : vector<16xi32>
      %add3A_76 = arith.constant 3 : i32
      %add3A_77 = vector.broadcast %add3A_76 : i32 to vector<16xi32>
      %add3A_78 = arith.addi %mul3A_75, %add3A_77 : vector<16xi32>
      %gather3A_79 = tpu.vector_load_idx %arg13[%add3A_78] : memref<1024xf32, #tpu.memory_space<vmem>>[vector<16xi32>], vector<16xf32>,
      %broadcast_in_dim3A_80 = arith.constant 3 : i32
      %broadcast_in_dim3A_81 = vector.broadcast %broadcast_in_dim3A_80 : i32 to vector<16xi32>
      tpu.vector_store_idx %arg23[%add3A_12, %broadcast_in_dim3A_81], %gather3A_79 : memref<512x48xf32, #tpu.memory_space<vmem>>[vector<16xi32>, vector<16xi32>], vector<16xf32>,
      %mul3A_82 = arith.constant 17 : i32
      %mul3A_83 = vector.broadcast %mul3A_82 : i32 to vector<16xi32>
      %mul3A_84 = arith.muli %get3A_15, %mul3A_83 : vector<16xi32>
      %add3A_85 = arith.constant 4 : i32
      %add3A_86 = vector.broadcast %add3A_85 : i32 to vector<16xi32>
      %add3A_87 = arith.addi %mul3A_84, %add3A_86 : vector<16xi32>
      %gather3A_88 = tpu.vector_load_idx %arg13[%add3A_87] : memref<1024xf32, #tpu.memory_space<vmem>>[vector<16xi32>], vector<16xf32>,
      %broadcast_in_dim3A_89 = arith.constant 4 : i32
      %broadcast_in_dim3A_90 = vector.broadcast %broadcast_in_dim3A_89 : i32 to vector<16xi32>
      tpu.vector_store_idx %arg23[%add3A_12, %broadcast_in_dim3A_90], %gather3A_88 : memref<512x48xf32, #tpu.memory_space<vmem>>[vector<16xi32>, vector<16xi32>], vector<16xf32>,
      %mul3A_91 = arith.constant 17 : i32
      %mul3A_92 = vector.broadcast %mul3A_91 : i32 to vector<16xi32>
      %mul3A_93 = arith.muli %get3A_15, %mul3A_92 : vector<16xi32>
      %add3A_94 = arith.constant 5 : i32
      %add3A_95 = vector.broadcast %add3A_94 : i32 to vector<16xi32>
      %add3A_96 = arith.addi %mul3A_93, %add3A_95 : vector<16xi32>
      %gather3A_97 = tpu.vector_load_idx %arg13[%add3A_96] : memref<1024xf32, #tpu.memory_space<vmem>>[vector<16xi32>], vector<16xf32>,
      %broadcast_in_dim3A_98 = arith.constant 5 : i32
      %broadcast_in_dim3A_99 = vector.broadcast %broadcast_in_dim3A_98 : i32 to vector<16xi32>
      tpu.vector_store_idx %arg23[%add3A_12, %broadcast_in_dim3A_99], %gather3A_97 : memref<512x48xf32, #tpu.memory_space<vmem>>[vector<16xi32>, vector<16xi32>], vector<16xf32>,
      %mul3A_100 = arith.constant 17 : i32
      %mul3A_101 = vector.broadcast %mul3A_100 : i32 to vector<16xi32>
      %mul3A_102 = arith.muli %get3A_15, %mul3A_101 : vector<16xi32>
      %add3A_103 = arith.constant 6 : i32
      %add3A_104 = vector.broadcast %add3A_103 : i32 to vector<16xi32>
      %add3A_105 = arith.addi %mul3A_102, %add3A_104 : vector<16xi32>
      %gather3A_106 = tpu.vector_load_idx %arg13[%add3A_105] : memref<1024xf32, #tpu.memory_space<vmem>>[vector<16xi32>], vector<16xf32>,
      %broadcast_in_dim3A_107 = arith.constant 6 : i32
      %broadcast_in_dim3A_108 = vector.broadcast %broadcast_in_dim3A_107 : i32 to vector<16xi32>
      tpu.vector_store_idx %arg23[%add3A_12, %broadcast_in_dim3A_108], %gather3A_106 : memref<512x48xf32, #tpu.memory_space<vmem>>[vector<16xi32>, vector<16xi32>], vector<16xf32>,
      %mul3A_109 = arith.constant 17 : i32
      %mul3A_110 = vector.broadcast %mul3A_109 : i32 to vector<16xi32>
      %mul3A_111 = arith.muli %get3A_15, %mul3A_110 : vector<16xi32>
      %add3A_112 = arith.constant 7 : i32
      %add3A_113 = vector.broadcast %add3A_112 : i32 to vector<16xi32>
      %add3A_114 = arith.addi %mul3A_111, %add3A_113 : vector<16xi32>
      %gather3A_115 = tpu.vector_load_idx %arg13[%add3A_114] : memref<1024xf32, #tpu.memory_space<vmem>>[vector<16xi32>], vector<16xf32>,
      %broadcast_in_dim3A_116 = arith.constant 7 : i32
      %broadcast_in_dim3A_117 = vector.broadcast %broadcast_in_dim3A_116 : i32 to vector<16xi32>
      tpu.vector_store_idx %arg23[%add3A_12, %broadcast_in_dim3A_117], %gather3A_115 : memref<512x48xf32, #tpu.memory_space<vmem>>[vector<16xi32>, vector<16xi32>], vector<16xf32>,
      %mul3A_118 = arith.constant 17 : i32
      %mul3A_119 = vector.broadcast %mul3A_118 : i32 to vector<16xi32>
      %mul3A_120 = arith.muli %get3A_15, %mul3A_119 : vector<16xi32>
      %add3A_121 = arith.constant 8 : i32
      %add3A_122 = vector.broadcast %add3A_121 : i32 to vector<16xi32>
      %add3A_123 = arith.addi %mul3A_120, %add3A_122 : vector<16xi32>
      %gather3A_124 = tpu.vector_load_idx %arg13[%add3A_123] : memref<1024xf32, #tpu.memory_space<vmem>>[vector<16xi32>], vector<16xf32>,
      %broadcast_in_dim3A_125 = arith.constant 8 : i32
      %broadcast_in_dim3A_126 = vector.broadcast %broadcast_in_dim3A_125 : i32 to vector<16xi32>
      tpu.vector_store_idx %arg23[%add3A_12, %broadcast_in_dim3A_126], %gather3A_124 : memref<512x48xf32, #tpu.memory_space<vmem>>[vector<16xi32>, vector<16xi32>], vector<16xf32>,
      %mul3A_127 = arith.constant 17 : i32
      %mul3A_128 = vector.broadcast %mul3A_127 : i32 to vector<16xi32>
      %mul3A_129 = arith.muli %get3A_15, %mul3A_128 : vector<16xi32>
      %add3A_130 = arith.constant 9 : i32
      %add3A_131 = vector.broadcast %add3A_130 : i32 to vector<16xi32>
      %add3A_132 = arith.addi %mul3A_129, %add3A_131 : vector<16xi32>
      %gather3A_133 = tpu.vector_load_idx %arg13[%add3A_132] : memref<1024xf32, #tpu.memory_space<vmem>>[vector<16xi32>], vector<16xf32>,
      %broadcast_in_dim3A_134 = arith.constant 9 : i32
      %broadcast_in_dim3A_135 = vector.broadcast %broadcast_in_dim3A_134 : i32 to vector<16xi32>
      tpu.vector_store_idx %arg23[%add3A_12, %broadcast_in_dim3A_135], %gather3A_133 : memref<512x48xf32, #tpu.memory_space<vmem>>[vector<16xi32>, vector<16xi32>], vector<16xf32>,
      %mul3A_136 = arith.constant 17 : i32
      %mul3A_137 = vector.broadcast %mul3A_136 : i32 to vector<16xi32>
      %mul3A_138 = arith.muli %get3A_15, %mul3A_137 : vector<16xi32>
      %add3A_139 = arith.constant 10 : i32
      %add3A_140 = vector.broadcast %add3A_139 : i32 to vector<16xi32>
      %add3A_141 = arith.addi %mul3A_138, %add3A_140 : vector<16xi32>
      %gather3A_142 = tpu.vector_load_idx %arg13[%add3A_141] : memref<1024xf32, #tpu.memory_space<vmem>>[vector<16xi32>], vector<16xf32>,
      %broadcast_in_dim3A_143 = arith.constant 10 : i32
      %broadcast_in_dim3A_144 = vector.broadcast %broadcast_in_dim3A_143 : i32 to vector<16xi32>
      tpu.vector_store_idx %arg23[%add3A_12, %broadcast_in_dim3A_144], %gather3A_142 : memref<512x48xf32, #tpu.memory_space<vmem>>[vector<16xi32>, vector<16xi32>], vector<16xf32>,
      %mul3A_145 = arith.constant 17 : i32
      %mul3A_146 = vector.broadcast %mul3A_145 : i32 to vector<16xi32>
      %mul3A_147 = arith.muli %get3A_15, %mul3A_146 : vector<16xi32>
      %add3A_148 = arith.constant 11 : i32
      %add3A_149 = vector.broadcast %add3A_148 : i32 to vector<16xi32>
      %add3A_150 = arith.addi %mul3A_147, %add3A_149 : vector<16xi32>
      %gather3A_151 = tpu.vector_load_idx %arg13[%add3A_150] : memref<1024xf32, #tpu.memory_space<vmem>>[vector<16xi32>], vector<16xf32>,
      %broadcast_in_dim3A_152 = arith.constant 11 : i32
      %broadcast_in_dim3A_153 = vector.broadcast %broadcast_in_dim3A_152 : i32 to vector<16xi32>
      tpu.vector_store_idx %arg23[%add3A_12, %broadcast_in_dim3A_153], %gather3A_151 : memref<512x48xf32, #tpu.memory_space<vmem>>[vector<16xi32>, vector<16xi32>], vector<16xf32>,
      %mul3A_154 = arith.constant 17 : i32
      %mul3A_155 = vector.broadcast %mul3A_154 : i32 to vector<16xi32>
      %mul3A_156 = arith.muli %get3A_15, %mul3A_155 : vector<16xi32>
      %add3A_157 = arith.constant 12 : i32
      %add3A_158 = vector.broadcast %add3A_157 : i32 to vector<16xi32>
      %add3A_159 = arith.addi %mul3A_156, %add3A_158 : vector<16xi32>
      %gather3A_160 = tpu.vector_load_idx %arg13[%add3A_159] : memref<1024xf32, #tpu.memory_space<vmem>>[vector<16xi32>], vector<16xf32>,
      %broadcast_in_dim3A_161 = arith.constant 12 : i32
      %broadcast_in_dim3A_162 = vector.broadcast %broadcast_in_dim3A_161 : i32 to vector<16xi32>
      tpu.vector_store_idx %arg23[%add3A_12, %broadcast_in_dim3A_162], %gather3A_160 : memref<512x48xf32, #tpu.memory_space<vmem>>[vector<16xi32>, vector<16xi32>], vector<16xf32>,
      %mul3A_163 = arith.constant 17 : i32
      %mul3A_164 = vector.broadcast %mul3A_163 : i32 to vector<16xi32>
      %mul3A_165 = arith.muli %get3A_15, %mul3A_164 : vector<16xi32>
      %add3A_166 = arith.constant 13 : i32
      %add3A_167 = vector.broadcast %add3A_166 : i32 to vector<16xi32>
      %add3A_168 = arith.addi %mul3A_165, %add3A_167 : vector<16xi32>
      %gather3A_169 = tpu.vector_load_idx %arg13[%add3A_168] : memref<1024xf32, #tpu.memory_space<vmem>>[vector<16xi32>], vector<16xf32>,
      %broadcast_in_dim3A_170 = arith.constant 13 : i32
      %broadcast_in_dim3A_171 = vector.broadcast %broadcast_in_dim3A_170 : i32 to vector<16xi32>
      tpu.vector_store_idx %arg23[%add3A_12, %broadcast_in_dim3A_171], %gather3A_169 : memref<512x48xf32, #tpu.memory_space<vmem>>[vector<16xi32>, vector<16xi32>], vector<16xf32>,
      %mul3A_172 = arith.constant 17 : i32
      %mul3A_173 = vector.broadcast %mul3A_172 : i32 to vector<16xi32>
      %mul3A_174 = arith.muli %get3A_15, %mul3A_173 : vector<16xi32>
      %add3A_175 = arith.constant 14 : i32
      %add3A_176 = vector.broadcast %add3A_175 : i32 to vector<16xi32>
      %add3A_177 = arith.addi %mul3A_174, %add3A_176 : vector<16xi32>
      %gather3A_178 = tpu.vector_load_idx %arg13[%add3A_177] : memref<1024xf32, #tpu.memory_space<vmem>>[vector<16xi32>], vector<16xf32>,
      %broadcast_in_dim3A_179 = arith.constant 14 : i32
      %broadcast_in_dim3A_180 = vector.broadcast %broadcast_in_dim3A_179 : i32 to vector<16xi32>
      tpu.vector_store_idx %arg23[%add3A_12, %broadcast_in_dim3A_180], %gather3A_178 : memref<512x48xf32, #tpu.memory_space<vmem>>[vector<16xi32>, vector<16xi32>], vector<16xf32>,
      %mul3A_181 = arith.constant 17 : i32
      %mul3A_182 = vector.broadcast %mul3A_181 : i32 to vector<16xi32>
      %mul3A_183 = arith.muli %get3A_15, %mul3A_182 : vector<16xi32>
      %add3A_184 = arith.constant 15 : i32
      %add3A_185 = vector.broadcast %add3A_184 : i32 to vector<16xi32>
      %add3A_186 = arith.addi %mul3A_183, %add3A_185 : vector<16xi32>
      %gather3A_187 = tpu.vector_load_idx %arg13[%add3A_186] : memref<1024xf32, #tpu.memory_space<vmem>>[vector<16xi32>], vector<16xf32>,
      %broadcast_in_dim3A_188 = arith.constant 15 : i32
      %broadcast_in_dim3A_189 = vector.broadcast %broadcast_in_dim3A_188 : i32 to vector<16xi32>
      tpu.vector_store_idx %arg23[%add3A_12, %broadcast_in_dim3A_189], %gather3A_187 : memref<512x48xf32, #tpu.memory_space<vmem>>[vector<16xi32>, vector<16xi32>], vector<16xf32>,
      %mul3A_190 = arith.constant 17 : i32
      %mul3A_191 = vector.broadcast %mul3A_190 : i32 to vector<16xi32>
      %mul3A_192 = arith.muli %get3A_15, %mul3A_191 : vector<16xi32>
      %add3A_193 = arith.constant 16 : i32
      %add3A_194 = vector.broadcast %add3A_193 : i32 to vector<16xi32>
      %add3A_195 = arith.addi %mul3A_192, %add3A_194 : vector<16xi32>
      %gather3A_196 = tpu.vector_load_idx %arg13[%add3A_195] : memref<1024xf32, #tpu.memory_space<vmem>>[vector<16xi32>], vector<16xf32>,
      %broadcast_in_dim3A_197 = arith.constant 16 : i32
      %broadcast_in_dim3A_198 = vector.broadcast %broadcast_in_dim3A_197 : i32 to vector<16xi32>
      tpu.vector_store_idx %arg23[%add3A_12, %broadcast_in_dim3A_198], %gather3A_196 : memref<512x48xf32, #tpu.memory_space<vmem>>[vector<16xi32>, vector<16xi32>], vector<16xf32>,
      %mul3A_199 = arith.constant 1 : i32
      %mul3A_200 = vector.broadcast %mul3A_199 : i32 to vector<16xi32>
      %mul3A_201 = arith.muli %get3A_19, %mul3A_200 : vector<16xi32>
      %add3A_202 = arith.constant 561 : i32
      %add3A_203 = vector.broadcast %add3A_202 : i32 to vector<16xi32>
      %add3A_204 = arith.addi %mul3A_201, %add3A_203 : vector<16xi32>
      %gather3A_205 = tpu.vector_load_idx %arg13[%add3A_204] : memref<1024xf32, #tpu.memory_space<vmem>>[vector<16xi32>], vector<16xf32>,
      %broadcast_in_dim3A_206 = arith.constant 17 : i32
      %broadcast_in_dim3A_207 = vector.broadcast %broadcast_in_dim3A_206 : i32 to vector<16xi32>
      tpu.vector_store_idx %arg23[%add3A_12, %broadcast_in_dim3A_207], %gather3A_205 : memref<512x48xf32, #tpu.memory_space<vmem>>[vector<16xi32>, vector<16xi32>], vector<16xf32>,
      %mul3A_208 = arith.constant 4 : i32
      %mul3A_209 = vector.broadcast %mul3A_208 : i32 to vector<16xi32>
      %mul3A_210 = arith.muli %get3A_23, %mul3A_209 : vector<16xi32>
      %add3A_211 = arith.constant 563 : i32
      %add3A_212 = vector.broadcast %add3A_211 : i32 to vector<16xi32>
      %add3A_213 = arith.addi %mul3A_210, %add3A_212 : vector<16xi32>
      %gather3A_214 = tpu.vector_load_idx %arg13[%add3A_213] : memref<1024xf32, #tpu.memory_space<vmem>>[vector<16xi32>], vector<16xf32>,
      %broadcast_in_dim3A_215 = arith.constant 18 : i32
      %broadcast_in_dim3A_216 = vector.broadcast %broadcast_in_dim3A_215 : i32 to vector<16xi32>
      tpu.vector_store_idx %arg23[%add3A_12, %broadcast_in_dim3A_216], %gather3A_214 : memref<512x48xf32, #tpu.memory_space<vmem>>[vector<16xi32>, vector<16xi32>], vector<16xf32>,
      %mul3A_217 = arith.constant 4 : i32
      %mul3A_218 = vector.broadcast %mul3A_217 : i32 to vector<16xi32>
      %mul3A_219 = arith.muli %get3A_23, %mul3A_218 : vector<16xi32>
      %add3A_220 = arith.constant 564 : i32
      %add3A_221 = vector.broadcast %add3A_220 : i32 to vector<16xi32>
      %add3A_222 = arith.addi %mul3A_219, %add3A_221 : vector<16xi32>
      %gather3A_223 = tpu.vector_load_idx %arg13[%add3A_222] : memref<1024xf32, #tpu.memory_space<vmem>>[vector<16xi32>], vector<16xf32>,
      %broadcast_in_dim3A_224 = arith.constant 19 : i32
      %broadcast_in_dim3A_225 = vector.broadcast %broadcast_in_dim3A_224 : i32 to vector<16xi32>
      tpu.vector_store_idx %arg23[%add3A_12, %broadcast_in_dim3A_225], %gather3A_223 : memref<512x48xf32, #tpu.memory_space<vmem>>[vector<16xi32>, vector<16xi32>], vector<16xf32>,
      %mul3A_226 = arith.constant 4 : i32
      %mul3A_227 = vector.broadcast %mul3A_226 : i32 to vector<16xi32>
      %mul3A_228 = arith.muli %get3A_23, %mul3A_227 : vector<16xi32>
      %add3A_229 = arith.constant 565 : i32
      %add3A_230 = vector.broadcast %add3A_229 : i32 to vector<16xi32>
      %add3A_231 = arith.addi %mul3A_228, %add3A_230 : vector<16xi32>
      %gather3A_232 = tpu.vector_load_idx %arg13[%add3A_231] : memref<1024xf32, #tpu.memory_space<vmem>>[vector<16xi32>], vector<16xf32>,
      %broadcast_in_dim3A_233 = arith.constant 20 : i32
      %broadcast_in_dim3A_234 = vector.broadcast %broadcast_in_dim3A_233 : i32 to vector<16xi32>
      tpu.vector_store_idx %arg23[%add3A_12, %broadcast_in_dim3A_234], %gather3A_232 : memref<512x48xf32, #tpu.memory_space<vmem>>[vector<16xi32>, vector<16xi32>], vector<16xf32>,
      %mul3A_235 = arith.constant 4 : i32
      %mul3A_236 = vector.broadcast %mul3A_235 : i32 to vector<16xi32>
      %mul3A_237 = arith.muli %get3A_23, %mul3A_236 : vector<16xi32>
      %add3A_238 = arith.constant 566 : i32
      %add3A_239 = vector.broadcast %add3A_238 : i32 to vector<16xi32>
      %add3A_240 = arith.addi %mul3A_237, %add3A_239 : vector<16xi32>
      %gather3A_241 = tpu.vector_load_idx %arg13[%add3A_240] : memref<1024xf32, #tpu.memory_space<vmem>>[vector<16xi32>], vector<16xf32>,
      %broadcast_in_dim3A_242 = arith.constant 21 : i32
      %broadcast_in_dim3A_243 = vector.broadcast %broadcast_in_dim3A_242 : i32 to vector<16xi32>
      tpu.vector_store_idx %arg23[%add3A_12, %broadcast_in_dim3A_243], %gather3A_241 : memref<512x48xf32, #tpu.memory_space<vmem>>[vector<16xi32>, vector<16xi32>], vector<16xf32>,
      %mul3A_244 = arith.constant 2 : i32
      %mul3A_245 = vector.broadcast %mul3A_244 : i32 to vector<16xi32>
      %mul3A_246 = arith.muli %get3A_27, %mul3A_245 : vector<16xi32>
      %add3A_247 = arith.constant 595 : i32
      %add3A_248 = vector.broadcast %add3A_247 : i32 to vector<16xi32>
      %add3A_249 = arith.addi %mul3A_246, %add3A_248 : vector<16xi32>
      %gather3A_250 = tpu.vector_load_idx %arg13[%add3A_249] : memref<1024xf32, #tpu.memory_space<vmem>>[vector<16xi32>], vector<16xf32>,
      %broadcast_in_dim3A_251 = arith.constant 22 : i32
      %broadcast_in_dim3A_252 = vector.broadcast %broadcast_in_dim3A_251 : i32 to vector<16xi32>
      tpu.vector_store_idx %arg23[%add3A_12, %broadcast_in_dim3A_252], %gather3A_250 : memref<512x48xf32, #tpu.memory_space<vmem>>[vector<16xi32>, vector<16xi32>], vector<16xf32>,
      %mul3A_253 = arith.constant 2 : i32
      %mul3A_254 = vector.broadcast %mul3A_253 : i32 to vector<16xi32>
      %mul3A_255 = arith.muli %get3A_27, %mul3A_254 : vector<16xi32>
      %add3A_256 = arith.constant 596 : i32
      %add3A_257 = vector.broadcast %add3A_256 : i32 to vector<16xi32>
      %add3A_258 = arith.addi %mul3A_255, %add3A_257 : vector<16xi32>
      %gather3A_259 = tpu.vector_load_idx %arg13[%add3A_258] : memref<1024xf32, #tpu.memory_space<vmem>>[vector<16xi32>], vector<16xf32>,
      %broadcast_in_dim3A_260 = arith.constant 23 : i32
      %broadcast_in_dim3A_261 = vector.broadcast %broadcast_in_dim3A_260 : i32 to vector<16xi32>
      tpu.vector_store_idx %arg23[%add3A_12, %broadcast_in_dim3A_261], %gather3A_259 : memref<512x48xf32, #tpu.memory_space<vmem>>[vector<16xi32>, vector<16xi32>], vector<16xf32>,
      %mul3A_262 = arith.constant 2 : i32
      %mul3A_263 = vector.broadcast %mul3A_262 : i32 to vector<16xi32>
      %mul3A_264 = arith.muli %get3A_31, %mul3A_263 : vector<16xi32>
      %add3A_265 = arith.constant 601 : i32
      %add3A_266 = vector.broadcast %add3A_265 : i32 to vector<16xi32>
      %add3A_267 = arith.addi %mul3A_264, %add3A_266 : vector<16xi32>
      %gather3A_268 = tpu.vector_load_idx %arg13[%add3A_267] : memref<1024xf32, #tpu.memory_space<vmem>>[vector<16xi32>], vector<16xf32>,
      %broadcast_in_dim3A_269 = arith.constant 24 : i32
      %broadcast_in_dim3A_270 = vector.broadcast %broadcast_in_dim3A_269 : i32 to vector<16xi32>
      tpu.vector_store_idx %arg23[%add3A_12, %broadcast_in_dim3A_270], %gather3A_268 : memref<512x48xf32, #tpu.memory_space<vmem>>[vector<16xi32>, vector<16xi32>], vector<16xf32>,
      %mul3A_271 = arith.constant 2 : i32
      %mul3A_272 = vector.broadcast %mul3A_271 : i32 to vector<16xi32>
      %mul3A_273 = arith.muli %get3A_31, %mul3A_272 : vector<16xi32>
      %add3A_274 = arith.constant 602 : i32
      %add3A_275 = vector.broadcast %add3A_274 : i32 to vector<16xi32>
      %add3A_276 = arith.addi %mul3A_273, %add3A_275 : vector<16xi32>
      %gather3A_277 = tpu.vector_load_idx %arg13[%add3A_276] : memref<1024xf32, #tpu.memory_space<vmem>>[vector<16xi32>], vector<16xf32>,
      %broadcast_in_dim3A_278 = arith.constant 25 : i32
      %broadcast_in_dim3A_279 = vector.broadcast %broadcast_in_dim3A_278 : i32 to vector<16xi32>
      tpu.vector_store_idx %arg23[%add3A_12, %broadcast_in_dim3A_279], %gather3A_277 : memref<512x48xf32, #tpu.memory_space<vmem>>[vector<16xi32>, vector<16xi32>], vector<16xf32>,
      %mul3A_280 = arith.constant 2 : i32
      %mul3A_281 = vector.broadcast %mul3A_280 : i32 to vector<16xi32>
      %mul3A_282 = arith.muli %get3A_35, %mul3A_281 : vector<16xi32>
      %add3A_283 = arith.constant 607 : i32
      %add3A_284 = vector.broadcast %add3A_283 : i32 to vector<16xi32>
      %add3A_285 = arith.addi %mul3A_282, %add3A_284 : vector<16xi32>
      %gather3A_286 = tpu.vector_load_idx %arg13[%add3A_285] : memref<1024xf32, #tpu.memory_space<vmem>>[vector<16xi32>], vector<16xf32>,
      %broadcast_in_dim3A_287 = arith.constant 26 : i32
      %broadcast_in_dim3A_288 = vector.broadcast %broadcast_in_dim3A_287 : i32 to vector<16xi32>
      tpu.vector_store_idx %arg23[%add3A_12, %broadcast_in_dim3A_288], %gather3A_286 : memref<512x48xf32, #tpu.memory_space<vmem>>[vector<16xi32>, vector<16xi32>], vector<16xf32>,
      %mul3A_289 = arith.constant 2 : i32
      %mul3A_290 = vector.broadcast %mul3A_289 : i32 to vector<16xi32>
      %mul3A_291 = arith.muli %get3A_35, %mul3A_290 : vector<16xi32>
      %add3A_292 = arith.constant 608 : i32
      %add3A_293 = vector.broadcast %add3A_292 : i32 to vector<16xi32>
      %add3A_294 = arith.addi %mul3A_291, %add3A_293 : vector<16xi32>
      %gather3A_295 = tpu.vector_load_idx %arg13[%add3A_294] : memref<1024xf32, #tpu.memory_space<vmem>>[vector<16xi32>], vector<16xf32>,
      %broadcast_in_dim3A_296 = arith.constant 27 : i32
      %broadcast_in_dim3A_297 = vector.broadcast %broadcast_in_dim3A_296 : i32 to vector<16xi32>
      tpu.vector_store_idx %arg23[%add3A_12, %broadcast_in_dim3A_297], %gather3A_295 : memref<512x48xf32, #tpu.memory_space<vmem>>[vector<16xi32>, vector<16xi32>], vector<16xf32>,
      %mul3A_298 = arith.constant 2 : i32
      %mul3A_299 = vector.broadcast %mul3A_298 : i32 to vector<16xi32>
      %mul3A_300 = arith.muli %get3A_39, %mul3A_299 : vector<16xi32>
      %add3A_301 = arith.constant 613 : i32
      %add3A_302 = vector.broadcast %add3A_301 : i32 to vector<16xi32>
      %add3A_303 = arith.addi %mul3A_300, %add3A_302 : vector<16xi32>
      %gather3A_304 = tpu.vector_load_idx %arg13[%add3A_303] : memref<1024xf32, #tpu.memory_space<vmem>>[vector<16xi32>], vector<16xf32>,
      %broadcast_in_dim3A_305 = arith.constant 28 : i32
      %broadcast_in_dim3A_306 = vector.broadcast %broadcast_in_dim3A_305 : i32 to vector<16xi32>
      tpu.vector_store_idx %arg23[%add3A_12, %broadcast_in_dim3A_306], %gather3A_304 : memref<512x48xf32, #tpu.memory_space<vmem>>[vector<16xi32>, vector<16xi32>], vector<16xf32>,
      %mul3A_307 = arith.constant 2 : i32
      %mul3A_308 = vector.broadcast %mul3A_307 : i32 to vector<16xi32>
      %mul3A_309 = arith.muli %get3A_39, %mul3A_308 : vector<16xi32>
      %add3A_310 = arith.constant 614 : i32
      %add3A_311 = vector.broadcast %add3A_310 : i32 to vector<16xi32>
      %add3A_312 = arith.addi %mul3A_309, %add3A_311 : vector<16xi32>
      %gather3A_313 = tpu.vector_load_idx %arg13[%add3A_312] : memref<1024xf32, #tpu.memory_space<vmem>>[vector<16xi32>], vector<16xf32>,
      %broadcast_in_dim3A_314 = arith.constant 29 : i32
      %broadcast_in_dim3A_315 = vector.broadcast %broadcast_in_dim3A_314 : i32 to vector<16xi32>
      tpu.vector_store_idx %arg23[%add3A_12, %broadcast_in_dim3A_315], %gather3A_313 : memref<512x48xf32, #tpu.memory_space<vmem>>[vector<16xi32>, vector<16xi32>], vector<16xf32>,
      %mul3A_316 = arith.constant 2 : i32
      %mul3A_317 = vector.broadcast %mul3A_316 : i32 to vector<16xi32>
      %mul3A_318 = arith.muli %get3A_43, %mul3A_317 : vector<16xi32>
      %add3A_319 = arith.constant 619 : i32
      %add3A_320 = vector.broadcast %add3A_319 : i32 to vector<16xi32>
      %add3A_321 = arith.addi %mul3A_318, %add3A_320 : vector<16xi32>
      %gather3A_322 = tpu.vector_load_idx %arg13[%add3A_321] : memref<1024xf32, #tpu.memory_space<vmem>>[vector<16xi32>], vector<16xf32>,
      %broadcast_in_dim3A_323 = arith.constant 30 : i32
      %broadcast_in_dim3A_324 = vector.broadcast %broadcast_in_dim3A_323 : i32 to vector<16xi32>
      tpu.vector_store_idx %arg23[%add3A_12, %broadcast_in_dim3A_324], %gather3A_322 : memref<512x48xf32, #tpu.memory_space<vmem>>[vector<16xi32>, vector<16xi32>], vector<16xf32>,
      %mul3A_325 = arith.constant 2 : i32
      %mul3A_326 = vector.broadcast %mul3A_325 : i32 to vector<16xi32>
      %mul3A_327 = arith.muli %get3A_43, %mul3A_326 : vector<16xi32>
      %add3A_328 = arith.constant 620 : i32
      %add3A_329 = vector.broadcast %add3A_328 : i32 to vector<16xi32>
      %add3A_330 = arith.addi %mul3A_327, %add3A_329 : vector<16xi32>
      %gather3A_331 = tpu.vector_load_idx %arg13[%add3A_330] : memref<1024xf32, #tpu.memory_space<vmem>>[vector<16xi32>], vector<16xf32>,
      %broadcast_in_dim3A_332 = arith.constant 31 : i32
      %broadcast_in_dim3A_333 = vector.broadcast %broadcast_in_dim3A_332 : i32 to vector<16xi32>
      tpu.vector_store_idx %arg23[%add3A_12, %broadcast_in_dim3A_333], %gather3A_331 : memref<512x48xf32, #tpu.memory_space<vmem>>[vector<16xi32>, vector<16xi32>], vector<16xf32>,
      %mul3A_334 = arith.constant 10 : i32
      %mul3A_335 = vector.broadcast %mul3A_334 : i32 to vector<16xi32>
      %mul3A_336 = arith.muli %get3A_47, %mul3A_335 : vector<16xi32>
      %add3A_337 = arith.constant 625 : i32
      %add3A_338 = vector.broadcast %add3A_337 : i32 to vector<16xi32>
      %add3A_339 = arith.addi %mul3A_336, %add3A_338 : vector<16xi32>
      %gather3A_340 = tpu.vector_load_idx %arg13[%add3A_339] : memref<1024xf32, #tpu.memory_space<vmem>>[vector<16xi32>], vector<16xf32>,
      %broadcast_in_dim3A_341 = arith.constant 32 : i32
      %broadcast_in_dim3A_342 = vector.broadcast %broadcast_in_dim3A_341 : i32 to vector<16xi32>
      tpu.vector_store_idx %arg23[%add3A_12, %broadcast_in_dim3A_342], %gather3A_340 : memref<512x48xf32, #tpu.memory_space<vmem>>[vector<16xi32>, vector<16xi32>], vector<16xf32>,
      %mul3A_343 = arith.constant 10 : i32
      %mul3A_344 = vector.broadcast %mul3A_343 : i32 to vector<16xi32>
      %mul3A_345 = arith.muli %get3A_47, %mul3A_344 : vector<16xi32>
      %add3A_346 = arith.constant 626 : i32
      %add3A_347 = vector.broadcast %add3A_346 : i32 to vector<16xi32>
      %add3A_348 = arith.addi %mul3A_345, %add3A_347 : vector<16xi32>
      %gather3A_349 = tpu.vector_load_idx %arg13[%add3A_348] : memref<1024xf32, #tpu.memory_space<vmem>>[vector<16xi32>], vector<16xf32>,
      %broadcast_in_dim3A_350 = arith.constant 33 : i32
      %broadcast_in_dim3A_351 = vector.broadcast %broadcast_in_dim3A_350 : i32 to vector<16xi32>
      tpu.vector_store_idx %arg23[%add3A_12, %broadcast_in_dim3A_351], %gather3A_349 : memref<512x48xf32, #tpu.memory_space<vmem>>[vector<16xi32>, vector<16xi32>], vector<16xf32>,
      %mul3A_352 = arith.constant 10 : i32
      %mul3A_353 = vector.broadcast %mul3A_352 : i32 to vector<16xi32>
      %mul3A_354 = arith.muli %get3A_47, %mul3A_353 : vector<16xi32>
      %add3A_355 = arith.constant 627 : i32
      %add3A_356 = vector.broadcast %add3A_355 : i32 to vector<16xi32>
      %add3A_357 = arith.addi %mul3A_354, %add3A_356 : vector<16xi32>
      %gather3A_358 = tpu.vector_load_idx %arg13[%add3A_357] : memref<1024xf32, #tpu.memory_space<vmem>>[vector<16xi32>], vector<16xf32>,
      %broadcast_in_dim3A_359 = arith.constant 34 : i32
      %broadcast_in_dim3A_360 = vector.broadcast %broadcast_in_dim3A_359 : i32 to vector<16xi32>
      tpu.vector_store_idx %arg23[%add3A_12, %broadcast_in_dim3A_360], %gather3A_358 : memref<512x48xf32, #tpu.memory_space<vmem>>[vector<16xi32>, vector<16xi32>], vector<16xf32>,
      %mul3A_361 = arith.constant 10 : i32
      %mul3A_362 = vector.broadcast %mul3A_361 : i32 to vector<16xi32>
      %mul3A_363 = arith.muli %get3A_47, %mul3A_362 : vector<16xi32>
      %add3A_364 = arith.constant 628 : i32
      %add3A_365 = vector.broadcast %add3A_364 : i32 to vector<16xi32>
      %add3A_366 = arith.addi %mul3A_363, %add3A_365 : vector<16xi32>
      %gather3A_367 = tpu.vector_load_idx %arg13[%add3A_366] : memref<1024xf32, #tpu.memory_space<vmem>>[vector<16xi32>], vector<16xf32>,
      %broadcast_in_dim3A_368 = arith.constant 35 : i32
      %broadcast_in_dim3A_369 = vector.broadcast %broadcast_in_dim3A_368 : i32 to vector<16xi32>
      tpu.vector_store_idx %arg23[%add3A_12, %broadcast_in_dim3A_369], %gather3A_367 : memref<512x48xf32, #tpu.memory_space<vmem>>[vector<16xi32>, vector<16xi32>], vector<16xf32>,
      %mul3A_370 = arith.constant 10 : i32
      %mul3A_371 = vector.broadcast %mul3A_370 : i32 to vector<16xi32>
      %mul3A_372 = arith.muli %get3A_47, %mul3A_371 : vector<16xi32>
      %add3A_373 = arith.constant 629 : i32
      %add3A_374 = vector.broadcast %add3A_373 : i32 to vector<16xi32>
      %add3A_375 = arith.addi %mul3A_372, %add3A_374 : vector<16xi32>
      %gather3A_376 = tpu.vector_load_idx %arg13[%add3A_375] : memref<1024xf32, #tpu.memory_space<vmem>>[vector<16xi32>], vector<16xf32>,
      %broadcast_in_dim3A_377 = arith.constant 36 : i32
      %broadcast_in_dim3A_378 = vector.broadcast %broadcast_in_dim3A_377 : i32 to vector<16xi32>
      tpu.vector_store_idx %arg23[%add3A_12, %broadcast_in_dim3A_378], %gather3A_376 : memref<512x48xf32, #tpu.memory_space<vmem>>[vector<16xi32>, vector<16xi32>], vector<16xf32>,
      %mul3A_379 = arith.constant 10 : i32
      %mul3A_380 = vector.broadcast %mul3A_379 : i32 to vector<16xi32>
      %mul3A_381 = arith.muli %get3A_47, %mul3A_380 : vector<16xi32>
      %add3A_382 = arith.constant 630 : i32
      %add3A_383 = vector.broadcast %add3A_382 : i32 to vector<16xi32>
      %add3A_384 = arith.addi %mul3A_381, %add3A_383 : vector<16xi32>
      %gather3A_385 = tpu.vector_load_idx %arg13[%add3A_384] : memref<1024xf32, #tpu.memory_space<vmem>>[vector<16xi32>], vector<16xf32>,
      %broadcast_in_dim3A_386 = arith.constant 37 : i32
      %broadcast_in_dim3A_387 = vector.broadcast %broadcast_in_dim3A_386 : i32 to vector<16xi32>
      tpu.vector_store_idx %arg23[%add3A_12, %broadcast_in_dim3A_387], %gather3A_385 : memref<512x48xf32, #tpu.memory_space<vmem>>[vector<16xi32>, vector<16xi32>], vector<16xf32>,
      %mul3A_388 = arith.constant 10 : i32
      %mul3A_389 = vector.broadcast %mul3A_388 : i32 to vector<16xi32>
      %mul3A_390 = arith.muli %get3A_47, %mul3A_389 : vector<16xi32>
      %add3A_391 = arith.constant 631 : i32
      %add3A_392 = vector.broadcast %add3A_391 : i32 to vector<16xi32>
      %add3A_393 = arith.addi %mul3A_390, %add3A_392 : vector<16xi32>
      %gather3A_394 = tpu.vector_load_idx %arg13[%add3A_393] : memref<1024xf32, #tpu.memory_space<vmem>>[vector<16xi32>], vector<16xf32>,
      %broadcast_in_dim3A_395 = arith.constant 38 : i32
      %broadcast_in_dim3A_396 = vector.broadcast %broadcast_in_dim3A_395 : i32 to vector<16xi32>
      tpu.vector_store_idx %arg23[%add3A_12, %broadcast_in_dim3A_396], %gather3A_394 : memref<512x48xf32, #tpu.memory_space<vmem>>[vector<16xi32>, vector<16xi32>], vector<16xf32>,
      %mul3A_397 = arith.constant 10 : i32
      %mul3A_398 = vector.broadcast %mul3A_397 : i32 to vector<16xi32>
      %mul3A_399 = arith.muli %get3A_47, %mul3A_398 : vector<16xi32>
      %add3A_400 = arith.constant 632 : i32
      %add3A_401 = vector.broadcast %add3A_400 : i32 to vector<16xi32>
      %add3A_402 = arith.addi %mul3A_399, %add3A_401 : vector<16xi32>
      %gather3A_403 = tpu.vector_load_idx %arg13[%add3A_402] : memref<1024xf32, #tpu.memory_space<vmem>>[vector<16xi32>], vector<16xf32>,
      %broadcast_in_dim3A_404 = arith.constant 39 : i32
      %broadcast_in_dim3A_405 = vector.broadcast %broadcast_in_dim3A_404 : i32 to vector<16xi32>
      tpu.vector_store_idx %arg23[%add3A_12, %broadcast_in_dim3A_405], %gather3A_403 : memref<512x48xf32, #tpu.memory_space<vmem>>[vector<16xi32>, vector<16xi32>], vector<16xf32>,
      %mul3A_406 = arith.constant 10 : i32
      %mul3A_407 = vector.broadcast %mul3A_406 : i32 to vector<16xi32>
      %mul3A_408 = arith.muli %get3A_47, %mul3A_407 : vector<16xi32>
      %add3A_409 = arith.constant 633 : i32
      %add3A_410 = vector.broadcast %add3A_409 : i32 to vector<16xi32>
      %add3A_411 = arith.addi %mul3A_408, %add3A_410 : vector<16xi32>
      %gather3A_412 = tpu.vector_load_idx %arg13[%add3A_411] : memref<1024xf32, #tpu.memory_space<vmem>>[vector<16xi32>], vector<16xf32>,
      %broadcast_in_dim3A_413 = arith.constant 40 : i32
      %broadcast_in_dim3A_414 = vector.broadcast %broadcast_in_dim3A_413 : i32 to vector<16xi32>
      tpu.vector_store_idx %arg23[%add3A_12, %broadcast_in_dim3A_414], %gather3A_412 : memref<512x48xf32, #tpu.memory_space<vmem>>[vector<16xi32>, vector<16xi32>], vector<16xf32>,
      %mul3A_415 = arith.constant 10 : i32
      %mul3A_416 = vector.broadcast %mul3A_415 : i32 to vector<16xi32>
      %mul3A_417 = arith.muli %get3A_47, %mul3A_416 : vector<16xi32>
      %add3A_418 = arith.constant 634 : i32
      %add3A_419 = vector.broadcast %add3A_418 : i32 to vector<16xi32>
      %add3A_420 = arith.addi %mul3A_417, %add3A_419 : vector<16xi32>
      %gather3A_421 = tpu.vector_load_idx %arg13[%add3A_420] : memref<1024xf32, #tpu.memory_space<vmem>>[vector<16xi32>], vector<16xf32>,
      %broadcast_in_dim3A_422 = arith.constant 41 : i32
      %broadcast_in_dim3A_423 = vector.broadcast %broadcast_in_dim3A_422 : i32 to vector<16xi32>
      tpu.vector_store_idx %arg23[%add3A_12, %broadcast_in_dim3A_423], %gather3A_421 : memref<512x48xf32, #tpu.memory_space<vmem>>[vector<16xi32>, vector<16xi32>], vector<16xf32>,
    }
    %scan3A_7 = arith.constant 32 : i32
    "tpu.region"() ({
      %run_scoped3A = tpu.sem_alloc : memref<!tpu.dma_semaphore, #tpu.memory_space<semaphore_mem>>
      %dma_start3A = arith.constant 0 : i32
      %dma_start3A_8 = tpu.memref_slice %arg12[%mul3A_2, %dma_start3A] : memref<16384x48xf32, #tpu.memory_space<hbm>> -> memref<512x48xf32, #tpu.memory_space<hbm>>
      %dma_start3A_9 = arith.constant 0 : i32
      %dma_start3A_10 = tpu.memref_slice %arg12[%mul3A_2, %dma_start3A_9] : memref<16384x48xf32, #tpu.memory_space<hbm>> -> memref<512x48xf32, #tpu.memory_space<hbm>>
      tpu.enqueue_dma source(%arg23 : memref<512x48xf32, #tpu.memory_space<vmem>>) target(%dma_start3A_10 : memref<512x48xf32, #tpu.memory_space<hbm>>) target_semaphore(%run_scoped3A : memref<!tpu.dma_semaphore, #tpu.memory_space<semaphore_mem>>)
      %dma_wait3A = arith.constant 0 : i32
      %dma_wait3A_11 = tpu.memref_slice %arg12[%mul3A_2, %dma_wait3A] : memref<16384x48xf32, #tpu.memory_space<hbm>> -> memref<512x48xf32, #tpu.memory_space<hbm>>
      %dma_wait3A_12 = arith.constant 0 : i32
      %dma_wait3A_13 = tpu.memref_slice %arg12[%mul3A_2, %dma_wait3A_12] : memref<16384x48xf32, #tpu.memory_space<hbm>> -> memref<512x48xf32, #tpu.memory_space<hbm>>
      tpu.wait_dma2 semaphore(%run_scoped3A : memref<!tpu.dma_semaphore, #tpu.memory_space<semaphore_mem>>) src(%arg23 : memref<512x48xf32, #tpu.memory_space<vmem>>) dst(%dma_wait3A_13 : memref<512x48xf32, #tpu.memory_space<hbm>>)
      tpu.yield
    }) : () -> ()
    return
  }
}

module attributes {stable_mosaic.version = 14 : i64} {
  func.func @_tc_body(%arg0: i32, %arg1: memref<2048x48xf32, #tpu.memory_space<vmem>>, %arg2: memref<8x2048xf32, #tpu.memory_space<vmem>>, %arg3: memref<1x2048xf32, #tpu.memory_space<vmem>>, %arg4: memref<48x256xbf16, #tpu.memory_space<vmem>>, %arg5: memref<1x256xf32, #tpu.memory_space<vmem>>, %arg6: memref<1x256xf32, #tpu.memory_space<vmem>>, %arg7: memref<1x1xf32, #tpu.memory_space<vmem>>, %arg8: memref<1x1xf32, #tpu.memory_space<vmem>>, %arg9: memref<2048x256xf32, #tpu.memory_space<vmem>>) attributes {dimension_semantics = [#tpu.dimension_semantics<arbitrary>], iteration_bounds = array<i64: 8>, scalar_prefetch = 0 : i64, scratch_operands = 0 : i64, tpu.core_type = #tpu.core_type<tc>, window_params = [{transform_indices = @transform_0, window_bounds = array<i64: 2048, 48>}, {pipeline_mode = #tpu.pipeline_mode<synchronous>, transform_indices = @transform_1, window_bounds = array<i64: 8, 2048>}, {transform_indices = @transform_2, window_bounds = array<i64: 1, 2048>}, {pipeline_mode = #tpu.pipeline_mode<synchronous>, transform_indices = @transform_3, window_bounds = array<i64: 48, 256>}, {pipeline_mode = #tpu.pipeline_mode<synchronous>, transform_indices = @transform_4, window_bounds = array<i64: 1, 256>}, {pipeline_mode = #tpu.pipeline_mode<synchronous>, transform_indices = @transform_5, window_bounds = array<i64: 1, 256>}, {pipeline_mode = #tpu.pipeline_mode<synchronous>, transform_indices = @transform_6, window_bounds = array<i64: 1, 1>}, {pipeline_mode = #tpu.pipeline_mode<synchronous>, transform_indices = @transform_7, window_bounds = array<i64: 1, 1>}, {transform_indices = @transform_8, window_bounds = array<i64: 2048, 256>}]} {
    %get3A = arith.constant 0 : index
    %get3A_0 = arith.constant 0 : index
    %get3A_1 = vector.load %arg2[%get3A, %get3A_0] : memref<8x2048xf32, #tpu.memory_space<vmem>>, vector<8x2048xf32>
    %reduce_sum3A = vector.shape_cast %get3A_1 : vector<8x2048xf32> to vector<1x8x2048xf32>
    %reduce_sum3A_2 = arith.constant dense<0.000000e+00> : vector<1xf32>
    %reduce_sum3A_3 = vector.multi_reduction <add>, %reduce_sum3A, %reduce_sum3A_2 [1, 2] : vector<1x8x2048xf32> to vector<1xf32>
    %reduce_sum3A_4 = vector.shape_cast %reduce_sum3A_3 : vector<1xf32> to vector<1x1x1xf32>
    %reduce_sum3A_5 = vector.extract %reduce_sum3A_4[0, 0, 0] : f32 from vector<1x1x1xf32>
    %div3A = arith.constant 1.638400e+04 : f32
    %div3A_6 = arith.divf %reduce_sum3A_5, %div3A : f32
    %mul3A = arith.mulf %get3A_1, %get3A_1 : vector<8x2048xf32>
    %reduce_sum3A_7 = vector.shape_cast %mul3A : vector<8x2048xf32> to vector<1x8x2048xf32>
    %reduce_sum3A_8 = arith.constant dense<0.000000e+00> : vector<1xf32>
    %reduce_sum3A_9 = vector.multi_reduction <add>, %reduce_sum3A_7, %reduce_sum3A_8 [1, 2] : vector<1x8x2048xf32> to vector<1xf32>
    %reduce_sum3A_10 = vector.shape_cast %reduce_sum3A_9 : vector<1xf32> to vector<1x1x1xf32>
    %reduce_sum3A_11 = vector.extract %reduce_sum3A_10[0, 0, 0] : f32 from vector<1x1x1xf32>
    %div3A_12 = arith.constant 1.638400e+04 : f32
    %div3A_13 = arith.divf %reduce_sum3A_11, %div3A_12 : f32
    %mul3A_14 = arith.mulf %div3A_6, %div3A_6 : f32
    %sub3A = arith.subf %div3A_13, %mul3A_14 : f32
    %add3A = arith.constant 9.99999974E-6 : f32
    %add3A_15 = arith.addf %sub3A, %add3A : f32
    %rsqrt3A = math.rsqrt %add3A_15 : f32
    %get3A_16 = arith.constant 0 : index
    %get3A_17 = arith.constant 0 : index
    %get3A_18 = vector.load %arg3[%get3A_16, %get3A_17] : memref<1x2048xf32, #tpu.memory_space<vmem>>, vector<1x2048xf32>
    %sub3A_19 = vector.broadcast %div3A_6 : f32 to vector<1x2048xf32>
    %sub3A_20 = arith.subf %get3A_18, %sub3A_19 : vector<1x2048xf32>
    %mul3A_21 = vector.broadcast %rsqrt3A : f32 to vector<1x2048xf32>
    %mul3A_22 = arith.mulf %sub3A_20, %mul3A_21 : vector<1x2048xf32>
    %get3A_23 = arith.constant 0 : index
    %get3A_24 = arith.constant 0 : index
    %get3A_25 = vector.load %arg7[%get3A_23, %get3A_24] : memref<1x1xf32, #tpu.memory_space<vmem>>, vector<1x1xf32>
    %mul3A_26 = vector.broadcast %get3A_25 : vector<1x1xf32> to vector<1x2048xf32>
    %mul3A_27 = arith.mulf %mul3A_22, %mul3A_26 : vector<1x2048xf32>
    %get3A_28 = arith.constant 0 : index
    %get3A_29 = arith.constant 0 : index
    %get3A_30 = vector.load %arg8[%get3A_28, %get3A_29] : memref<1x1xf32, #tpu.memory_space<vmem>>, vector<1x1xf32>
    %add3A_31 = vector.broadcast %get3A_30 : vector<1x1xf32> to vector<1x2048xf32>
    %add3A_32 = arith.addf %mul3A_27, %add3A_31 : vector<1x2048xf32>
    %get3A_33 = arith.constant 0 : index
    %get3A_34 = arith.constant 0 : index
    %get3A_35 = vector.load %arg1[%get3A_33, %get3A_34] : memref<2048x48xf32, #tpu.memory_space<vmem>>, vector<2048x48xf32>
    %convert_element_type3A = arith.truncf %get3A_35 : vector<2048x48xf32> to vector<2048x48xbf16>
    %get3A_36 = arith.constant 0 : index
    %get3A_37 = arith.constant 0 : index
    %get3A_38 = vector.load %arg4[%get3A_36, %get3A_37] : memref<48x256xbf16, #tpu.memory_space<vmem>>, vector<48x256xbf16>
    %dot_general3A = arith.constant dense<0.000000e+00> : vector<2048x256xf32>
    %dot_general3A_39 = tpu.matmul %convert_element_type3A, %get3A_38, %dot_general3A {dimension_numbers = #tpu.dot_dimension_numbers<[1], [0], [0], [1], [0, 0, 1, 1], [], []>, transpose_lhs_hint = false} : vector<2048x48xbf16>, vector<48x256xbf16>, vector<2048x256xf32> -> vector<2048x256xf32>
    %get3A_40 = arith.constant 0 : index
    %get3A_41 = arith.constant 0 : index
    %get3A_42 = vector.load %arg5[%get3A_40, %get3A_41] : memref<1x256xf32, #tpu.memory_space<vmem>>, vector<1x256xf32>
    %dot_general3A_43 = arith.constant dense<0.000000e+00> : vector<2048x256xf32>
    %dot_general3A_44 = tpu.matmul %add3A_32, %get3A_42, %dot_general3A_43 {dimension_numbers = #tpu.dot_dimension_numbers<[0], [0], [1], [1], [0, 1, 1, 1], [], []>, transpose_lhs_hint = false} : vector<1x2048xf32>, vector<1x256xf32>, vector<2048x256xf32> -> vector<2048x256xf32>
    %add3A_45 = arith.addf %dot_general3A_39, %dot_general3A_44 : vector<2048x256xf32>
    %get3A_46 = arith.constant 0 : index
    %get3A_47 = arith.constant 0 : index
    %get3A_48 = vector.load %arg6[%get3A_46, %get3A_47] : memref<1x256xf32, #tpu.memory_space<vmem>>, vector<1x256xf32>
    %add3A_49 = vector.broadcast %get3A_48 : vector<1x256xf32> to vector<2048x256xf32>
    %add3A_50 = arith.addf %add3A_45, %add3A_49 : vector<2048x256xf32>
    %reduce_max3A = arith.constant dense<0xFF800000> : vector<2048xf32>
    %reduce_max3A_51 = vector.multi_reduction <maximumf>, %add3A_50, %reduce_max3A [1] : vector<2048x256xf32> to vector<2048xf32>
    %broadcast_in_dim3A = vector.shape_cast %reduce_max3A_51 : vector<2048xf32> to vector<2048x1xf32>
    %sub3A_52 = vector.broadcast %broadcast_in_dim3A : vector<2048x1xf32> to vector<2048x256xf32>
    %sub3A_53 = arith.subf %add3A_50, %sub3A_52 : vector<2048x256xf32>
    %exp3A = math.exp %sub3A_53 : vector<2048x256xf32>
    %reduce_sum3A_54 = arith.constant dense<0.000000e+00> : vector<2048xf32>
    %reduce_sum3A_55 = vector.multi_reduction <add>, %exp3A, %reduce_sum3A_54 [1] : vector<2048x256xf32> to vector<2048xf32>
    %broadcast_in_dim3A_56 = vector.shape_cast %reduce_sum3A_55 : vector<2048xf32> to vector<2048x1xf32>
    %div3A_57 = vector.broadcast %broadcast_in_dim3A_56 : vector<2048x1xf32> to vector<2048x256xf32>
    %div3A_58 = arith.divf %exp3A, %div3A_57 : vector<2048x256xf32>
    %swap3A = arith.constant 0 : index
    %swap3A_59 = arith.constant 0 : index
    %swap3A_60 = vector.load %arg9[%swap3A, %swap3A_59] : memref<2048x256xf32, #tpu.memory_space<vmem>>, vector<2048x256xf32>
    tpu.vector_store %arg9[%swap3A, %swap3A_59], %div3A_58 {strides = array<i32>} : memref<2048x256xf32, #tpu.memory_space<vmem>>, vector<2048x256xf32>,
    return
  }
  func.func @transform_0(%arg0: i32) -> (i32, i32) {
    %c0_i32 = arith.constant 0 : i32
    %c0_i32_0 = arith.constant 0 : i32
    return %arg0, %c0_i32 : i32, i32
  }
  func.func @transform_1(%arg0: i32) -> (i32, i32) {
    %c0_i32 = arith.constant 0 : i32
    %c0_i32_0 = arith.constant 0 : i32
    %c0_i32_1 = arith.constant 0 : i32
    return %c0_i32, %c0_i32_0 : i32, i32
  }
  func.func @transform_2(%arg0: i32) -> (i32, i32) {
    %c0_i32 = arith.constant 0 : i32
    %c0_i32_0 = arith.constant 0 : i32
    return %c0_i32, %arg0 : i32, i32
  }
  func.func @transform_3(%arg0: i32) -> (i32, i32) {
    %c0_i32 = arith.constant 0 : i32
    %c0_i32_0 = arith.constant 0 : i32
    %c0_i32_1 = arith.constant 0 : i32
    return %c0_i32, %c0_i32_0 : i32, i32
  }
  func.func @transform_4(%arg0: i32) -> (i32, i32) {
    %c0_i32 = arith.constant 0 : i32
    %c0_i32_0 = arith.constant 0 : i32
    %c0_i32_1 = arith.constant 0 : i32
    return %c0_i32, %c0_i32_0 : i32, i32
  }
  func.func @transform_5(%arg0: i32) -> (i32, i32) {
    %c0_i32 = arith.constant 0 : i32
    %c0_i32_0 = arith.constant 0 : i32
    %c0_i32_1 = arith.constant 0 : i32
    return %c0_i32, %c0_i32_0 : i32, i32
  }
  func.func @transform_6(%arg0: i32) -> (i32, i32) {
    %c0_i32 = arith.constant 0 : i32
    %c0_i32_0 = arith.constant 0 : i32
    %c0_i32_1 = arith.constant 0 : i32
    return %c0_i32, %c0_i32_0 : i32, i32
  }
  func.func @transform_7(%arg0: i32) -> (i32, i32) {
    %c0_i32 = arith.constant 0 : i32
    %c0_i32_0 = arith.constant 0 : i32
    %c0_i32_1 = arith.constant 0 : i32
    return %c0_i32, %c0_i32_0 : i32, i32
  }
  func.func @transform_8(%arg0: i32) -> (i32, i32) {
    %c0_i32 = arith.constant 0 : i32
    %c0_i32_0 = arith.constant 0 : i32
    return %arg0, %c0_i32 : i32, i32
  }
}

</mosaic_0001>

<sc_bundles>
// kernel: kernel.4.cloned.1.call-start
scs
__scs_entry_jumppad:
0x0: {  	(pc) =	sbr.rel $0x88, $3  }
0x1: {  	(tag) =	ssettag $0x0;
	lr =	simm.s32 $0x1  }
0x2: {  	[smem:$0x3F93] =	sst lr;
	_ =	strace $0xD0000000  }
0x3: {  	_ = 	snop  }
0x4: {  	_ = 	snop  }
0x5: {  	_ = 	snop  }
0x6: {  	_ = 	snop  }
0x7: {  	_ = 	snop  }
__scs_overlays_trampoline_lowered:
0x8: {  	[smem:$0x3FA2] =	sst s0  }
0x9: {  	[smem:$0x3FA3] =	sst s1  }
0xa: {  	[smem:$0x3FA4] =	sst s2  }
0xb: {  	[smem:$0x3FA5] =	sst s3  }
0xc: {  	[smem:$0x3FA6] =	sst s4  }
0xd: {  	[smem:$0x3FA7] =	sst s5  }
0xe: {  	[smem:$0x3FA8] =	sst s6  }
0xf: {  	[smem:$0x3FA9] =	sst s7  }
0x10: {  	[smem:$0x3FAA] =	sst s8  }
0x11: {  	[smem:$0x3FAB] =	sst s9;
	s0 =	simm.s32 @!p0 $0x0  }
0x12: {  	s1 =	sld [smem:$0x3F91];
	s0 =	simm.s32 @p0 $0x1  }
0x13: {  	[smem:$0x3FAC] =	sst s0;
	s0 =	simm.s32 @!p1 $0x0  }
0x14: {  	s2 =	sld [smem:$0x3F90];
	s0 =	simm.s32 @p1 $0x1  }
0x15: {  	[smem:$0x3FAD] =	sst s0;
	s0 =	simm.s32 @!p2 $0x0  }
0x16: {  	s3 =	sld [smem:$0x3FDB];
	s0 =	simm.s32 @p2 $0x1  }
0x17: {  	s4 =	simm.s32 $0x1BF5;
	[smem:$0x3FAF] =	sst s0  }
0x18: {  	s0 =	sld [smem:$0x3F92];
	_ =	swait.ge [sflag:s4], $0x0  }
0x19: {  	s7 =	sld [smem:$0x3F93]  }
0x1a: {  	s8 =	sadd.s32 $0xFFFFE003, lr  }
0x1b: {  	s9 =	sadd.s32 $0xFFFFFEF7, lr;
	s5 =	simm.s32 $0xFFFFFFFF;
	p2 =	slt.u32 s8, $0xFFFFF086  }
0x1c: {  	p1 =	slt.u32 s9, $0xF7A;
	s5 =	simm.s32 @!p2 $0x0  }
0x1d: {  	s5 =	simm.s32 @p1 $0x1;
	p0 =	seq.s32 s7, s2  }
0x1e: {  	s7 =	smul.u32 @!p0 $0xF7A, s2;
	p2 =	seq.s32 @!p0 s5, $0x0  }
0x1f: {  	s9 =	smul.u32 $0xF7A, s1;
	s8 =	simm.s32 @!p0 $0x1BF5;
	p2 =	por !p2, p0  }
0x20: {  	[sflag:s8] =	ssyncset.s32 @!p0 $0xFFFFF086;
	s6 =	sadd.s32 @!p0 s3, s7;
	s7 =	simm.s32 @!p0 $0x108  }
0x21: {  	s3 =	sadd.s32 s3, s9;
	s6 =	sadd.s32 @!p0 $0x88, s6;
	s7 =	simm.s32 @p2 $0x1082  }
0x22: {  	[simem:s7], [sflag:s8] =	dma.local @!p0 [hbm:s6], $0xF7A  }
0x23: {  	s9 =	sor.u32 $0xD0000000, s2;
	s6 =	simm.s32 $0x108;
	_ =	swait.ge @!p0 [sflag:s8], $0x0  }
0x24: {  	s3 =	sadd.s32 $0x88, s3;
	s6 =	simm.s32 @!p1 $0x1082;
	[sflag:s4] =	ssyncset.s32 $0xFFFFF086  }
0x25: {  	[simem:s6], [sflag:s4] =	dma.local [hbm:s3], $0xF7A  }
0x26: {  	[smem:$0x3F93] =	sst s1;
	(tag) =	ssettag s2;
	_ =	strace s9  }
0x27: {  	s1 =	sld [smem:$0x3FA3]  }
0x28: {  	s2 =	sld [smem:$0x3FA4]  }
0x29: {  	s4 =	sld [smem:$0x3FA6]  }
0x2a: {  	p0 =	seq.s32 s5, $0x0;
	s5 =	sld [smem:$0x3FA7]  }
0x2b: {  	s6 =	sld [smem:$0x3FA8]  }
0x2c: {  	s7 =	sld [smem:$0x3FA9]  }
0x2d: {  	s3 =	simm.s32 $0x108;
	s8 =	sld [smem:$0x3FAA]  }
0x2e: {  	s3 =	simm.s32 @!p0 $0x1082;
	s9 =	sld [smem:$0x3FAB]  }
0x2f: {  	lr =	sadd.s32 s0, s3;
	s0 =	sld [smem:$0x3FA2]  }
0x30: {  	s3 =	sld [smem:$0x3FA5]  }
0x31: {  	[smem:$0x3FAE] =	sst s10  }
0x32: {  	s10 =	sld [smem:$0x3FAC];
	_ =	sdelay $0x3  }
0x33: {  	p0 =	seq.s32 s10, $0x1;
	s10 =	sld [smem:$0x3FAE];
	_ =	sdelay $0x3  }
0x34: {  	[smem:$0x3FAE] =	sst s10  }
0x35: {  	s10 =	sld [smem:$0x3FAD];
	_ =	sdelay $0x3  }
0x36: {  	p1 =	seq.s32 s10, $0x1;
	s10 =	sld [smem:$0x3FAE];
	_ =	sdelay $0x3  }
0x37: {  	[smem:$0x3FAE] =	sst s10  }
0x38: {  	s10 =	sld [smem:$0x3FAF]  }
0x39: {  	_ = 	snop;
	(pc) =	sbr.ind lr, $3  }
0x3a: {  	_ = 	snop  }
0x3b: {  	_ = 	snop  }
0x3c: {  	p2 =	seq.s32 s10, $0x1;
	s10 =	sld [smem:$0x3FAE]  }
0x3d: {  	_ =	shalt  }
0x3e: {  	_ =	shalt  }
0x3f: {  	_ =	shalt  }
0x40: {  	_ =	shalt  }
0x41: {  	_ =	shalt  }
0x42: {  	_ =	shalt  }
0x43: {  	_ =	shalt  }
0x44: {  	_ =	shalt  }
0x45: {  	_ =	shalt  }
0x46: {  	_ =	shalt  }
0x47: {  	_ =	shalt  }
0x48: {  	_ =	shalt  }
0x49: {  	_ =	shalt  }
0x4a: {  	_ =	shalt  }
0x4b: {  	_ =	shalt  }
0x4c: {  	_ =	shalt  }
0x4d: {  	_ =	shalt  }
0x4e: {  	_ =	shalt  }
0x4f: {  	_ =	shalt  }
0x50: {  	_ =	shalt  }
0x51: {  	_ =	shalt  }
0x52: {  	_ =	shalt  }
0x53: {  	_ =	shalt  }
0x54: {  	_ =	shalt  }
0x55: {  	_ =	shalt  }
0x56: {  	_ =	shalt  }
0x57: {  	_ =	shalt  }
0x58: {  	_ =	shalt  }
0x59: {  	_ =	shalt  }
0x5a: {  	_ =	shalt  }
0x5b: {  	_ =	shalt  }
0x5c: {  	_ =	shalt  }
0x5d: {  	_ =	shalt  }
0x5e: {  	_ =	shalt  }
0x5f: {  	_ =	shalt  }
0x60: {  	_ =	shalt  }
0x61: {  	_ =	shalt  }
0x62: {  	_ =	shalt  }
0x63: {  	_ =	shalt  }
0x64: {  	_ =	shalt  }
0x65: {  	_ =	shalt  }
0x66: {  	_ =	shalt  }
0x67: {  	_ =	shalt  }
0x68: {  	_ =	shalt  }
0x69: {  	_ =	shalt  }
0x6a: {  	_ =	shalt  }
0x6b: {  	_ =	shalt  }
0x6c: {  	_ =	shalt  }
0x6d: {  	_ =	shalt  }
0x6e: {  	_ =	shalt  }
0x6f: {  	_ =	shalt  }
0x70: {  	_ =	shalt  }
0x71: {  	_ =	shalt  }
0x72: {  	_ =	shalt  }
0x73: {  	_ =	shalt  }
0x74: {  	_ =	shalt  }
0x75: {  	_ =	shalt  }
0x76: {  	_ =	shalt  }
0x77: {  	_ =	shalt  }
0x78: {  	_ =	shalt  }
0x79: {  	_ =	shalt  }
0x7a: {  	_ =	shalt  }
0x7b: {  	_ =	shalt  }
0x7c: {  	_ =	shalt  }
0x7d: {  	_ =	shalt  }
0x7e: {  	_ =	shalt  }
0x7f: {  	_ =	shalt  }
0x80: {  	_ =	shalt  }
0x81: {  	_ =	shalt  }
0x82: {  	_ =	shalt  }
0x83: {  	_ =	shalt  }
0x84: {  	_ =	shalt  }
0x85: {  	_ =	shalt  }
0x86: {  	_ =	shalt  }
0x87: {  	_ =	shalt  }
.Lfunc_end0:
.L_simem_size_0:
called_computation_lowered:
.L_overlay_start_0:
0x88: {  	s2 =	sld [smem:$0x3FD9]  }
0x89: {  	s3 =	sld [smem:$0x3FFE];
	_ =	sdelay $0x1  }
0x8a: {  	s1 =	srdreg.scid  }
0x8b: {  	s0 =	sand.u32 $0x1, s1  }
0x8c: {  	s17 =	sshll.u32 s0, $0xA;
	s2 =	sadd.s32 s3, s2  }
0x8d: {  	s2 =	sadd.s32 s2, s17  }
0x8e: {  	[smem:$0x3FBA] =	sst s2  }
0x8f: {  	_ = 	snop  }
0x90: {  	s2 =	sld [smem:$0x3FD0];
	(tm) =	ssettm $0x1  }
0x91: {  	s18 =	sld [smem:$0x3FFB];
	_ =	sdelay $0x3  }
0x92: {  	_ =	strace s18  }
0x93: {  	s3 =	sld [smem:$0x3FFC];
	_ =	sdelay $0x3  }
0x94: {  	_ =	strace s3  }
0x95: {  	s3 =	sld [smem:$0x3FFD];
	_ =	sdelay $0x3  }
0x96: {  	_ =	strace s3  }
0x97: {  	_ =	strace $0x8FFFFFFF  }
0x98: {  	s19 =	sld [smem:$0x3FDB];
	_ =	sdelay $0x1  }
0x99: {  	s4 =	simm.s32 $_scs_section_size  }
0x9a: {  	s5 =	simm.s32 $_size__tile_overlayer_lowered;
	s6 =	simm.s32 $_tile_overlayer_lowered  }
0x9b: {  	s22 =	simm.s32 $0x1BFF;
	s21 =	sshll.u32 s6, $0x1;
	s3 =	sadd.s32 s4, s19  }
0x9c: {  	s7 =	simm.s32 $0x0;
	s20 =	sshll.u32 s5, $0x1;
	s5 =	sadd.s32 s21, s3  }
0x9d: {  	[timem:s7], [sflag:s22] =	dma.local [hbm:s5], s20  }
0x9e: {  	_ =	swait.ge [sflag:s22], s20  }
0x9f: {  	s4 =	ssub.s32 $0x0, s20;
	[sflag:s22] =	ssyncset.done $0x0  }
0xa0: {  	[sflag:s22] =	ssyncadd.s32 s4;
	_ =	sdelay $0x1  }
0xa1: {  	s23 =	simm.s32 $0x1B8B  }
0xa2: {  	_ =	swait.ge [sflag:s23], $0x1  }
0xa3: {  	[sflag:s23] =	ssyncset.done $0x0  }
0xa4: {  	s25 =	simm.s32 $0x1B8E;
	s24 =	sld [smem:$0x3FFE];
	[sflag:s23] =	ssyncadd.s32 $0xFFFFFFFF  }
0xa5: {  	s26 =	simm.s32 $execute0_lowered;
	[smem:$0x3FD2] =	sst s25  }
0xa6: {  	s5 =	sshll.u32 s26, $0x1;
	_ =	strace $0x80000046;
	[dreg:$0x1] =	wrdreg $0xFFFFFFFF  }
0xa7: {  	s28 =	simm.s32 $_size_execute0_lowered;
	s3 =	sadd.s32 s3, s5;
	[dreg:$0x0] =	wrdreg $0x0  }
0xa8: {  	s5 =	sshll.u32 s28, $0x1;
	[dreg:$0x2] =	wrdreg s3  }
0xa9: {  	[dreg:$0x3] =	wrdreg s5  }
0xaa: {  	[dreg:$0x4] =	wrdreg $0xC0  }
0xab: {  	_ =	task [dreg:s7], $0x5FFFF  }
0xac: {  	[dreg:$0x1] =	wrdreg $0xFFFFFFFF  }
0xad: {  	[dreg:$0x0] =	wrdreg $0x60  }
0xae: {  	[dreg:$0x2] =	wrdreg s24  }
0xaf: {  	[dreg:$0x3] =	wrdreg s2  }
0xb0: {  	[dreg:$0x4] =	wrdreg $0x9  }
0xb1: {  	_ =	task.clear_ibuf [dreg:s7], $0x5FFFF;
	_ =	strace $0x90000046  }
0xb2: {  	s29 =	simm.s32 $0x9;
	_ =	strace $0x80000048  }
0xb3: {  	_ =	swait.ge [sflag:s29], $0x1  }
0xb4: {  	[sflag:s29] =	ssyncadd.s32 $0xFFFFFFFF  }
0xb5: {  	_ =	strace $0x90000048  }
0xb6: {  	_ =	sfence  }
0xb7: {  	s30 =	sld [smem:$0x0];
	_ =	sdelay $0x2  }
0xb8: {  	s31 =	sshll.u32 s1, $0xD;
	s1 =	sshrl.u32 s1, $0x2  }
0xb9: {  	s3 =	sand.u32 $0x4000, s31;
	s1 =	sadd.s32 s1, s30  }
0xba: {  	s0 =	sor.u32 s3, s0;
	s1 =	sshll.u32 s1, $0x11  }
0xbb: {  	s0 =	sor.u32 s1, s0  }
0xbc: {  	s0 =	sadd.s32 $0x8F2B, s0  }
0xbd: {  	[sflag:s0] =	ssyncadd.remote.s32 $0x1  }
0xbe: {  	_ =	sfence.sel $0xFFFF  }
0xbf: {  	[dreg:$0x0] =	wrdreg $0xFFFFFFFF;
	(pc) =	sbr.abs _section_cstart, $3  }
0xc0: {  	[dreg:$0x1] =	wrdreg $0xFFFFFFFF  }
0xc1: {  	_ =	task.clear_ibuf [dreg:s7], $0x2FFFF;
	_ =	strace $0x9FFFFFFF  }
0xc2: {  	(tm) =	ssettm $0x7FFFFFFF  }
0xc3: {  	_ =	shalt  }
tec
execute0_lowered:
.L_overlay_start_1:
0x0: {  	(tag) =	ssettag $0x1  }
0x1: {  	s4 =	rddreg [dreg:$0x0]  }
0x2: {  	s13 =	rddreg [dreg:$0x1]  }
0x3: {  	s2 =	srdreg.scid;
	s1 =	stileid.u32;
	s17 =	simm.s32 $0x600  }
0x4: {  	s18 =	simm.s32 $0x800;
	s19 =	simm.s32 $0xA00;
	s20 =	simm.s32 $0xC00  }
0x5: {  	s21 =	simm.s32 $0xE00;
	s22 =	simm.s32 $0x1000;
	s23 =	simm.s32 $0x1200  }
0x6: {  	s24 =	simm.s32 $0x1400;
	s25 =	simm.s32 $0x1600;
	s26 =	simm.s32 $0x0  }
0x7: {  	s3 =	sand.u32 $0x1, s2;
	s2 =	simm.s32 $0x0;
	s5 =	sshll.u32 s1, $0xA  }
0x8: {  	s6 =	sshll.u32 s3, $0x9;
	[smem:$0x7FF] =	sst s2;
	s31 =	ssub.s32 $0x2, s3  }
0x9: {  	s3 =	sadd.s32 $0x5000, s4;
	s12 =	sor.u32 s6, s5;
	_ =	strace $0x80000047  }
0xa: {  	s7 =	sshrl.u32 s31, $0x1;
	s6 =	sshrl.u32 s12, $0x3;
	s16 =	sshll.u32 s12, $0x4  }
0xb: {  	s15 =	ssub.s32 s31, s7;
	s14 =	sadd.s32 s6, s4;
	s13 =	sadd.s32 s13, s16  }
0xc: {  	s16 =	simm.s32 $0x400;
	s4 =	sadd.s32 $0x4800, s14;
	s5 =	sadd.s32 $0x4000, s14  }
0xd: {  	s6 =	sadd.s32 $0x3800, s14;
	s7 =	sadd.s32 $0x3000, s14;
	s8 =	sadd.s32 $0x2800, s14  }
0xe: {  	v0 =	vlaneseq.u32;
	s9 =	sadd.s32 $0x2000, s14;
	s10 =	sadd.s32 $0x1800, s14;
	s11 =	sadd.s32 $0x1000, s14  }
0xf: {  	v0 =	vmul.u32 $0x80, v0;
	s12 =	sadd.s32 $0x800, s14;
	s14 =	smax.u32 s15, $0x1;
	s15 =	simm.s32 $0x1  }
.LBB2_1:
0x10: {  	[tilespmem:s2], [sflag:$0x1] =	stream.linear.gather [hbm4b:s3+s2], $0x400, $0x38;
	[tilespmem:$0x11600] =	vst v63  }
0x11: {  	_ =	swait.ge [sflag:s15], $0x400  }
0x12: {  	[sflag:s15] =	ssyncset.done $0x0  }
0x13: {  	[sflag:s15] =	ssyncadd.s32 $0xFFFFFC00  }
0x14: {  	[tilespmem:s16], [sflag:$0x1] =	stream.linear.gather [hbm4b:s4+s2], $0x200, $0x38;
	[tilespmem:$0x11600] =	vst v63  }
0x15: {  	_ =	swait.ge [sflag:s15], $0x200  }
0x16: {  	[sflag:s15] =	ssyncset.done $0x0  }
0x17: {  	[sflag:s15] =	ssyncadd.s32 $0xFFFFFE00  }
0x18: {  	[tilespmem:s17], [sflag:$0x1] =	stream.linear.gather [hbm4b:s5+s2], $0x200, $0x38;
	[tilespmem:$0x11600] =	vst v63  }
0x19: {  	_ =	swait.ge [sflag:s15], $0x200  }
0x1a: {  	[sflag:s15] =	ssyncset.done $0x0  }
0x1b: {  	[sflag:s15] =	ssyncadd.s32 $0xFFFFFE00  }
0x1c: {  	[tilespmem:s18], [sflag:$0x1] =	stream.linear.gather [hbm4b:s6+s2], $0x200, $0x38;
	[tilespmem:$0x11600] =	vst v63  }
0x1d: {  	_ =	swait.ge [sflag:s15], $0x200  }
0x1e: {  	[sflag:s15] =	ssyncset.done $0x0  }
0x1f: {  	[sflag:s15] =	ssyncadd.s32 $0xFFFFFE00  }
0x20: {  	[tilespmem:s19], [sflag:$0x1] =	stream.linear.gather [hbm4b:s7+s2], $0x200, $0x38;
	[tilespmem:$0x11600] =	vst v63  }
0x21: {  	_ =	swait.ge [sflag:s15], $0x200  }
0x22: {  	[sflag:s15] =	ssyncset.done $0x0  }
0x23: {  	[sflag:s15] =	ssyncadd.s32 $0xFFFFFE00  }
0x24: {  	[tilespmem:s20], [sflag:$0x1] =	stream.linear.gather [hbm4b:s8+s2], $0x200, $0x38;
	[tilespmem:$0x11600] =	vst v63  }
0x25: {  	_ =	swait.ge [sflag:s15], $0x200  }
0x26: {  	[sflag:s15] =	ssyncset.done $0x0  }
0x27: {  	[sflag:s15] =	ssyncadd.s32 $0xFFFFFE00  }
0x28: {  	[tilespmem:s21], [sflag:$0x1] =	stream.linear.gather [hbm4b:s9+s2], $0x200, $0x38;
	[tilespmem:$0x11600] =	vst v63  }
0x29: {  	_ =	swait.ge [sflag:s15], $0x200  }
0x2a: {  	[sflag:s15] =	ssyncset.done $0x0  }
0x2b: {  	[sflag:s15] =	ssyncadd.s32 $0xFFFFFE00  }
0x2c: {  	[tilespmem:s22], [sflag:$0x1] =	stream.linear.gather [hbm4b:s10+s2], $0x200, $0x38;
	[tilespmem:$0x11600] =	vst v63  }
0x2d: {  	_ =	swait.ge [sflag:s15], $0x200  }
0x2e: {  	[sflag:s15] =	ssyncset.done $0x0  }
0x2f: {  	[sflag:s15] =	ssyncadd.s32 $0xFFFFFE00  }
0x30: {  	[tilespmem:s23], [sflag:$0x1] =	stream.linear.gather [hbm4b:s11+s2], $0x200, $0x38;
	[tilespmem:$0x11600] =	vst v63  }
0x31: {  	_ =	swait.ge [sflag:s15], $0x200  }
0x32: {  	[sflag:s15] =	ssyncset.done $0x0  }
0x33: {  	[sflag:s15] =	ssyncadd.s32 $0xFFFFFE00  }
0x34: {  	[tilespmem:s24], [sflag:$0x1] =	stream.linear.gather [hbm4b:s12+s2], $0x200, $0x38;
	[tilespmem:$0x11600] =	vst v63  }
0x35: {  	_ =	swait.ge [sflag:s15], $0x200  }
0x36: {  	[sflag:s15] =	ssyncset.done $0x0  }
0x37: {  	s28 =	simm.s32 $0x0;
	[sflag:s15] =	ssyncadd.s32 $0xFFFFFE00  }
0x38: {  	v1 =	vld [tilespmem:s28+$0x400];
	_ =	sdelay $0x4  }
0x39: {  	v4 =	vmul.u32 $0x11, v1;
	_ =	sdelay $0x2  }
0x3a: {  	v2 =	vld [tilespmem:s28+$0x1400]  }
0x3b: {  	v3 =	vld [tilespmem:s28+$0x1200];
	v1 =	vmov s2  }
0x3c: {  	v5 =	vld [tilespmem:s28+$0x1000];
	v1 =	vshll.u32 v1, $0x7  }
0x3d: {  	v1 =	vor.u32 v0, v1;
	v6 =	vld.idx.msk [tilespmem:v4+s2+$0x0], $0xffff  }
0x3e: {  	v7 =	vld [tilespmem:s28+$0xE00];
	v9 =	vadd.s32 $0x1, v4  }
0x3f: {  	v8 =	vld [tilespmem:s28+$0xC00]  }
0x40: {  	v10 =	vld [tilespmem:s28+$0xA00]  }
0x41: {  	v11 =	vld [tilespmem:s28+$0x800]  }
0x42: {  	v12 =	vld [tilespmem:s28+$0x600];
	[tilespmem:v1+s25+$0x0] =	vst.idx.msk $0xffff, v6  }
0x43: {  	v38 =	vor.u32 $0x1, v1;
	v6 =	vld.idx.msk [tilespmem:v9+s2+$0x0], $0xffff  }
0x44: {  	v13 =	vadd.s32 $0x2, v4;
	_ =	sdelay $0x3  }
0x45: {  	[tilespmem:v38+s25+$0x0] =	vst.idx.msk $0xffff, v6  }
0x46: {  	v39 =	vor.u32 $0x2, v1;
	v6 =	vld.idx.msk [tilespmem:v13+s2+$0x0], $0xffff  }
0x47: {  	v40 =	vadd.s32 $0x3, v4;
	_ =	sdelay $0x3  }
0x48: {  	[tilespmem:v39+s25+$0x0] =	vst.idx.msk $0xffff, v6  }
0x49: {  	v41 =	vor.u32 $0x3, v1;
	v6 =	vld.idx.msk [tilespmem:v40+s2+$0x0], $0xffff  }
0x4a: {  	v42 =	vadd.s32 $0x4, v4;
	_ =	sdelay $0x3  }
0x4b: {  	[tilespmem:v41+s25+$0x0] =	vst.idx.msk $0xffff, v6  }
0x4c: {  	v43 =	vor.u32 $0x4, v1;
	v6 =	vld.idx.msk [tilespmem:v42+s2+$0x0], $0xffff  }
0x4d: {  	v44 =	vadd.s32 $0x5, v4;
	_ =	sdelay $0x3  }
0x4e: {  	[tilespmem:v43+s25+$0x0] =	vst.idx.msk $0xffff, v6  }
0x4f: {  	v45 =	vor.u32 $0x5, v1;
	v6 =	vld.idx.msk [tilespmem:v44+s2+$0x0], $0xffff  }
0x50: {  	v46 =	vadd.s32 $0x6, v4;
	_ =	sdelay $0x3  }
0x51: {  	[tilespmem:v45+s25+$0x0] =	vst.idx.msk $0xffff, v6  }
0x52: {  	v47 =	vor.u32 $0x6, v1;
	v6 =	vld.idx.msk [tilespmem:v46+s2+$0x0], $0xffff  }
0x53: {  	v48 =	vadd.s32 $0x7, v4;
	_ =	sdelay $0x3  }
0x54: {  	[tilespmem:v47+s25+$0x0] =	vst.idx.msk $0xffff, v6  }
0x55: {  	v49 =	vor.u32 $0x7, v1;
	v6 =	vld.idx.msk [tilespmem:v48+s2+$0x0], $0xffff  }
0x56: {  	v50 =	vadd.s32 $0x8, v4;
	_ =	sdelay $0x3  }
0x57: {  	[tilespmem:v49+s25+$0x0] =	vst.idx.msk $0xffff, v6  }
0x58: {  	v51 =	vor.u32 $0x8, v1;
	v6 =	vld.idx.msk [tilespmem:v50+s2+$0x0], $0xffff  }
0x59: {  	v52 =	vadd.s32 $0x9, v4;
	_ =	sdelay $0x3  }
0x5a: {  	[tilespmem:v51+s25+$0x0] =	vst.idx.msk $0xffff, v6  }
0x5b: {  	v53 =	vor.u32 $0x9, v1;
	v6 =	vld.idx.msk [tilespmem:v52+s2+$0x0], $0xffff  }
0x5c: {  	v54 =	vadd.s32 $0xA, v4;
	_ =	sdelay $0x3  }
0x5d: {  	[tilespmem:v53+s25+$0x0] =	vst.idx.msk $0xffff, v6  }
0x5e: {  	v55 =	vor.u32 $0xA, v1;
	v6 =	vld.idx.msk [tilespmem:v54+s2+$0x0], $0xffff  }
0x5f: {  	v56 =	vadd.s32 $0xB, v4;
	_ =	sdelay $0x3  }
0x60: {  	[tilespmem:v55+s25+$0x0] =	vst.idx.msk $0xffff, v6  }
0x61: {  	v57 =	vor.u32 $0xB, v1;
	v6 =	vld.idx.msk [tilespmem:v56+s2+$0x0], $0xffff  }
0x62: {  	v58 =	vadd.s32 $0xC, v4;
	_ =	sdelay $0x3  }
0x63: {  	[tilespmem:v57+s25+$0x0] =	vst.idx.msk $0xffff, v6  }
0x64: {  	v59 =	vor.u32 $0xC, v1;
	v6 =	vld.idx.msk [tilespmem:v58+s2+$0x0], $0xffff  }
0x65: {  	v60 =	vadd.s32 $0xD, v4;
	_ =	sdelay $0x3  }
0x66: {  	[tilespmem:v59+s25+$0x0] =	vst.idx.msk $0xffff, v6  }
0x67: {  	v61 =	vor.u32 $0xD, v1;
	v6 =	vld.idx.msk [tilespmem:v60+s2+$0x0], $0xffff  }
0x68: {  	v62 =	vadd.s32 $0xE, v4;
	_ =	sdelay $0x3  }
0x69: {  	[tilespmem:v61+s25+$0x0] =	vst.idx.msk $0xffff, v6  }
0x6a: {  	v63 =	vor.u32 $0xE, v1;
	v6 =	vld.idx.msk [tilespmem:v62+s2+$0x0], $0xffff  }
0x6b: {  	v16 =	vadd.s32 $0xF, v4;
	_ =	sdelay $0x3  }
0x6c: {  	[tilespmem:v63+s25+$0x0] =	vst.idx.msk $0xffff, v6  }
0x6d: {  	v17 =	vor.u32 $0xF, v1;
	v6 =	vld.idx.msk [tilespmem:v16+s2+$0x0], $0xffff  }
0x6e: {  	v4 =	vadd.s32 $0x10, v4;
	_ =	sdelay $0x3  }
0x6f: {  	[tilespmem:v17+s25+$0x0] =	vst.idx.msk $0xffff, v6  }
0x70: {  	v18 =	vor.u32 $0x10, v1;
	v4 =	vld.idx.msk [tilespmem:v4+s2+$0x0], $0xffff  }
0x71: {  	v19 =	vadd.s32 $0x231, v12;
	_ =	sdelay $0x3  }
0x72: {  	[tilespmem:v18+s25+$0x0] =	vst.idx.msk $0xffff, v4  }
0x73: {  	v20 =	vshll.u32 v11, $0x2;
	v21 =	vor.u32 $0x11, v1;
	v6 =	vld.idx.msk [tilespmem:v19+s2+$0x0], $0xffff  }
0x74: {  	v11 =	vadd.s32 $0x233, v20;
	_ =	sdelay $0x3  }
0x75: {  	[tilespmem:v21+s25+$0x0] =	vst.idx.msk $0xffff, v6  }
0x76: {  	v22 =	vor.u32 $0x12, v1;
	v6 =	vld.idx.msk [tilespmem:v11+s2+$0x0], $0xffff  }
0x77: {  	v23 =	vadd.s32 $0x234, v20;
	_ =	sdelay $0x3  }
0x78: {  	[tilespmem:v22+s25+$0x0] =	vst.idx.msk $0xffff, v6  }
0x79: {  	v24 =	vor.u32 $0x13, v1;
	v6 =	vld.idx.msk [tilespmem:v23+s2+$0x0], $0xffff  }
0x7a: {  	v25 =	vadd.s32 $0x235, v20;
	_ =	sdelay $0x3  }
0x7b: {  	[tilespmem:v24+s25+$0x0] =	vst.idx.msk $0xffff, v6  }
0x7c: {  	v26 =	vor.u32 $0x14, v1;
	v6 =	vld.idx.msk [tilespmem:v25+s2+$0x0], $0xffff  }
0x7d: {  	v4 =	vadd.s32 $0x236, v20;
	_ =	sdelay $0x3  }
0x7e: {  	[tilespmem:v26+s25+$0x0] =	vst.idx.msk $0xffff, v6  }
0x7f: {  	v27 =	vshll.u32 v10, $0x1;
	v28 =	vor.u32 $0x15, v1;
	v4 =	vld.idx.msk [tilespmem:v4+s2+$0x0], $0xffff  }
0x80: {  	v10 =	vadd.s32 $0x253, v27;
	_ =	sdelay $0x3  }
0x81: {  	[tilespmem:v28+s25+$0x0] =	vst.idx.msk $0xffff, v4  }
0x82: {  	v29 =	vor.u32 $0x16, v1;
	v4 =	vld.idx.msk [tilespmem:v10+s2+$0x0], $0xffff  }
0x83: {  	v6 =	vadd.s32 $0x254, v27;
	_ =	sdelay $0x3  }
0x84: {  	[tilespmem:v29+s25+$0x0] =	vst.idx.msk $0xffff, v4  }
0x85: {  	v30 =	vshll.u32 v8, $0x1;
	v31 =	vor.u32 $0x17, v1;
	v6 =	vld.idx.msk [tilespmem:v6+s2+$0x0], $0xffff  }
0x86: {  	v32 =	vadd.s32 $0x259, v30;
	_ =	sdelay $0x3  }
0x87: {  	[tilespmem:v31+s25+$0x0] =	vst.idx.msk $0xffff, v6  }
0x88: {  	v33 =	vor.u32 $0x18, v1;
	v6 =	vld.idx.msk [tilespmem:v32+s2+$0x0], $0xffff  }
0x89: {  	v4 =	vadd.s32 $0x25A, v30;
	_ =	sdelay $0x3  }
0x8a: {  	[tilespmem:v33+s25+$0x0] =	vst.idx.msk $0xffff, v6  }
0x8b: {  	v7 =	vshll.u32 v7, $0x1;
	v34 =	vor.u32 $0x19, v1;
	v4 =	vld.idx.msk [tilespmem:v4+s2+$0x0], $0xffff  }
0x8c: {  	v35 =	vadd.s32 $0x25F, v7;
	_ =	sdelay $0x3  }
0x8d: {  	[tilespmem:v34+s25+$0x0] =	vst.idx.msk $0xffff, v4  }
0x8e: {  	v36 =	vor.u32 $0x1A, v1;
	v4 =	vld.idx.msk [tilespmem:v35+s2+$0x0], $0xffff  }
0x8f: {  	v7 =	vadd.s32 $0x260, v7;
	_ =	sdelay $0x3  }
0x90: {  	[tilespmem:v36+s25+$0x0] =	vst.idx.msk $0xffff, v4  }
0x91: {  	v37 =	vshll.u32 v5, $0x1;
	v39 =	vor.u32 $0x1B, v1;
	v38 =	vld.idx.msk [tilespmem:v7+s2+$0x0], $0xffff  }
0x92: {  	v40 =	vadd.s32 $0x265, v37;
	_ =	sdelay $0x3  }
0x93: {  	[tilespmem:v39+s25+$0x0] =	vst.idx.msk $0xffff, v38  }
0x94: {  	v41 =	vor.u32 $0x1C, v1;
	v5 =	vld.idx.msk [tilespmem:v40+s2+$0x0], $0xffff  }
0x95: {  	v4 =	vadd.s32 $0x266, v37;
	_ =	sdelay $0x3  }
0x96: {  	[tilespmem:v41+s25+$0x0] =	vst.idx.msk $0xffff, v5  }
0x97: {  	v3 =	vshll.u32 v3, $0x1;
	v42 =	vor.u32 $0x1D, v1;
	v4 =	vld.idx.msk [tilespmem:v4+s2+$0x0], $0xffff  }
0x98: {  	v43 =	vadd.s32 $0x26B, v3;
	_ =	sdelay $0x3  }
0x99: {  	[tilespmem:v42+s25+$0x0] =	vst.idx.msk $0xffff, v4  }
0x9a: {  	v44 =	vor.u32 $0x1E, v1;
	v4 =	vld.idx.msk [tilespmem:v43+s2+$0x0], $0xffff  }
0x9b: {  	v3 =	vadd.s32 $0x26C, v3;
	_ =	sdelay $0x3  }
0x9c: {  	v2 =	vmul.u32 $0xA, v2;
	[tilespmem:v44+s25+$0x0] =	vst.idx.msk $0xffff, v4  }
0x9d: {  	v45 =	vor.u32 $0x1F, v1;
	v3 =	vld.idx.msk [tilespmem:v3+s2+$0x0], $0xffff  }
0x9e: {  	v46 =	vadd.s32 $0x271, v2;
	_ =	sdelay $0x3  }
0x9f: {  	[tilespmem:v45+s25+$0x0] =	vst.idx.msk $0xffff, v3  }
0xa0: {  	v47 =	vor.u32 $0x20, v1;
	v3 =	vld.idx.msk [tilespmem:v46+s2+$0x0], $0xffff  }
0xa1: {  	v48 =	vadd.s32 $0x272, v2;
	_ =	sdelay $0x3  }
0xa2: {  	[tilespmem:v47+s25+$0x0] =	vst.idx.msk $0xffff, v3  }
0xa3: {  	v49 =	vor.u32 $0x21, v1;
	v3 =	vld.idx.msk [tilespmem:v48+s2+$0x0], $0xffff  }
0xa4: {  	v50 =	vadd.s32 $0x273, v2;
	_ =	sdelay $0x3  }
0xa5: {  	[tilespmem:v49+s25+$0x0] =	vst.idx.msk $0xffff, v3  }
0xa6: {  	v51 =	vor.u32 $0x22, v1;
	v3 =	vld.idx.msk [tilespmem:v50+s2+$0x0], $0xffff  }
0xa7: {  	v52 =	vadd.s32 $0x274, v2;
	_ =	sdelay $0x3  }
0xa8: {  	[tilespmem:v51+s25+$0x0] =	vst.idx.msk $0xffff, v3  }
0xa9: {  	v53 =	vor.u32 $0x23, v1;
	v3 =	vld.idx.msk [tilespmem:v52+s2+$0x0], $0xffff  }
0xaa: {  	v54 =	vadd.s32 $0x275, v2;
	_ =	sdelay $0x3  }
0xab: {  	[tilespmem:v53+s25+$0x0] =	vst.idx.msk $0xffff, v3  }
0xac: {  	v55 =	vor.u32 $0x24, v1;
	v3 =	vld.idx.msk [tilespmem:v54+s2+$0x0], $0xffff  }
0xad: {  	v56 =	vadd.s32 $0x276, v2;
	_ =	sdelay $0x3  }
0xae: {  	[tilespmem:v55+s25+$0x0] =	vst.idx.msk $0xffff, v3  }
0xaf: {  	v57 =	vor.u32 $0x25, v1;
	v3 =	vld.idx.msk [tilespmem:v56+s2+$0x0], $0xffff  }
0xb0: {  	v58 =	vadd.s32 $0x277, v2;
	_ =	sdelay $0x3  }
0xb1: {  	[tilespmem:v57+s25+$0x0] =	vst.idx.msk $0xffff, v3  }
0xb2: {  	v59 =	vor.u32 $0x26, v1;
	v3 =	vld.idx.msk [tilespmem:v58+s2+$0x0], $0xffff  }
0xb3: {  	v60 =	vadd.s32 $0x278, v2;
	_ =	sdelay $0x3  }
0xb4: {  	[tilespmem:v59+s25+$0x0] =	vst.idx.msk $0xffff, v3  }
0xb5: {  	v61 =	vor.u32 $0x27, v1;
	v3 =	vld.idx.msk [tilespmem:v60+s2+$0x0], $0xffff  }
0xb6: {  	v62 =	vadd.s32 $0x279, v2;
	_ =	sdelay $0x3  }
0xb7: {  	[tilespmem:v61+s25+$0x0] =	vst.idx.msk $0xffff, v3  }
0xb8: {  	v63 =	vor.u32 $0x28, v1;
	v3 =	vld.idx.msk [tilespmem:v62+s2+$0x0], $0xffff  }
0xb9: {  	v2 =	vadd.s32 $0x27A, v2;
	_ =	sdelay $0x3  }
0xba: {  	[tilespmem:v63+s25+$0x0] =	vst.idx.msk $0xffff, v3  }
0xbb: {  	s29 =	simm.s32 $0x40;
	s31 =	simm.s32 $0x80;
	s28 =	simm.s32 $0x0;
	v1 =	vor.u32 $0x29, v1;
	v2 =	vld.idx.msk [tilespmem:v2+s2+$0x0], $0xffff  }
.LBB2_2:
0xbc: {  	_ =	sdelay $0x2  }
0xbd: {  	s0 =	sshra.s32 s29, $0x2  }
0xbe: {  	s28 =	sadd.s32 $0x10, s28;
	s29 =	smov.u32 s31;
	s30 =	sadd.s32 $0x40, s31;
	[tilespmem:v1+s25+$0x0] =	vst.idx.msk $0xffff, v2  }
0xbf: {  	p0 =	sne.s32 s31, $0x7C0;
	v1 =	vld [tilespmem:s0+$0x400];
	_ =	sdelay $0x4  }
0xc0: {  	v9 =	vmul.u32 $0x11, v1;
	_ =	sdelay $0x2  }
0xc1: {  	v2 =	vld [tilespmem:s0+$0x1400]  }
0xc2: {  	v3 =	vld [tilespmem:s0+$0x1200]  }
0xc3: {  	v1 =	vmov s28;
	v4 =	vld [tilespmem:s0+$0x1000]  }
0xc4: {  	v1 =	vshll.u32 v1, $0x7;
	v6 =	vld.idx.msk [tilespmem:v9+s2+$0x0], $0xffff  }
0xc5: {  	v1 =	vor.u32 v0, v1;
	v5 =	vld [tilespmem:s0+$0xE00]  }
0xc6: {  	v8 =	vadd.s32 $0x1, v9;
	v7 =	vld [tilespmem:s0+$0xC00];
	v2 =	vmul.u32 $0xA, v2  }
0xc7: {  	v11 =	vld [tilespmem:s0+$0xA00];
	v3 =	vshll.u32 v3, $0x1  }
0xc8: {  	v12 =	vld [tilespmem:s0+$0x800];
	v4 =	vshll.u32 v4, $0x1  }
0xc9: {  	v10 =	vld [tilespmem:s0+$0x600]  }
0xca: {  	[tilespmem:v1+s25+$0x0] =	vst.idx.msk $0xffff, v6  }
0xcb: {  	v13 =	vld.idx.msk [tilespmem:v8+s2+$0x0], $0xffff;
	v6 =	vshll.u32 v7, $0x1  }
0xcc: {  	v14 =	vor.u32 $0x1, v1;
	v7 =	vshll.u32 v11, $0x1  }
0xcd: {  	v11 =	vadd.s32 $0x2, v9;
	v8 =	vshll.u32 v12, $0x2;
	_ =	sdelay $0x3  }
0xce: {  	[tilespmem:v14+s25+$0x0] =	vst.idx.msk $0xffff, v13  }
0xcf: {  	v11 =	vld.idx.msk [tilespmem:v11+s2+$0x0], $0xffff  }
0xd0: {  	v12 =	vor.u32 $0x2, v1  }
0xd1: {  	v13 =	vadd.s32 $0x3, v9;
	_ =	sdelay $0x3  }
0xd2: {  	[tilespmem:v12+s25+$0x0] =	vst.idx.msk $0xffff, v11  }
0xd3: {  	v11 =	vld.idx.msk [tilespmem:v13+s2+$0x0], $0xffff  }
0xd4: {  	v12 =	vor.u32 $0x3, v1  }
0xd5: {  	v13 =	vadd.s32 $0x4, v9;
	_ =	sdelay $0x3  }
0xd6: {  	[tilespmem:v12+s25+$0x0] =	vst.idx.msk $0xffff, v11  }
0xd7: {  	v11 =	vld.idx.msk [tilespmem:v13+s2+$0x0], $0xffff  }
0xd8: {  	v12 =	vor.u32 $0x4, v1  }
0xd9: {  	v13 =	vadd.s32 $0x5, v9;
	_ =	sdelay $0x3  }
0xda: {  	[tilespmem:v12+s25+$0x0] =	vst.idx.msk $0xffff, v11  }
0xdb: {  	v11 =	vld.idx.msk [tilespmem:v13+s2+$0x0], $0xffff  }
0xdc: {  	v12 =	vor.u32 $0x5, v1  }
0xdd: {  	v13 =	vadd.s32 $0x6, v9;
	_ =	sdelay $0x3  }
0xde: {  	[tilespmem:v12+s25+$0x0] =	vst.idx.msk $0xffff, v11  }
0xdf: {  	v11 =	vld.idx.msk [tilespmem:v13+s2+$0x0], $0xffff  }
0xe0: {  	v12 =	vor.u32 $0x6, v1  }
0xe1: {  	v13 =	vadd.s32 $0x7, v9;
	_ =	sdelay $0x3  }
0xe2: {  	[tilespmem:v12+s25+$0x0] =	vst.idx.msk $0xffff, v11  }
0xe3: {  	v11 =	vld.idx.msk [tilespmem:v13+s2+$0x0], $0xffff  }
0xe4: {  	v12 =	vor.u32 $0x7, v1  }
0xe5: {  	v13 =	vadd.s32 $0x8, v9;
	_ =	sdelay $0x3  }
0xe6: {  	[tilespmem:v12+s25+$0x0] =	vst.idx.msk $0xffff, v11  }
0xe7: {  	v11 =	vld.idx.msk [tilespmem:v13+s2+$0x0], $0xffff  }
0xe8: {  	v12 =	vor.u32 $0x8, v1  }
0xe9: {  	v13 =	vadd.s32 $0x9, v9;
	_ =	sdelay $0x3  }
0xea: {  	[tilespmem:v12+s25+$0x0] =	vst.idx.msk $0xffff, v11  }
0xeb: {  	v11 =	vld.idx.msk [tilespmem:v13+s2+$0x0], $0xffff  }
0xec: {  	v12 =	vor.u32 $0x9, v1  }
0xed: {  	v13 =	vadd.s32 $0xA, v9;
	_ =	sdelay $0x3  }
0xee: {  	[tilespmem:v12+s25+$0x0] =	vst.idx.msk $0xffff, v11  }
0xef: {  	v11 =	vld.idx.msk [tilespmem:v13+s2+$0x0], $0xffff  }
0xf0: {  	v12 =	vor.u32 $0xA, v1  }
0xf1: {  	v13 =	vadd.s32 $0xB, v9;
	_ =	sdelay $0x3  }
0xf2: {  	[tilespmem:v12+s25+$0x0] =	vst.idx.msk $0xffff, v11  }
0xf3: {  	v11 =	vld.idx.msk [tilespmem:v13+s2+$0x0], $0xffff  }
0xf4: {  	v12 =	vor.u32 $0xB, v1  }
0xf5: {  	v13 =	vadd.s32 $0xC, v9;
	_ =	sdelay $0x3  }
0xf6: {  	[tilespmem:v12+s25+$0x0] =	vst.idx.msk $0xffff, v11  }
0xf7: {  	v11 =	vld.idx.msk [tilespmem:v13+s2+$0x0], $0xffff  }
0xf8: {  	v12 =	vor.u32 $0xC, v1  }
0xf9: {  	v13 =	vadd.s32 $0xD, v9;
	_ =	sdelay $0x3  }
0xfa: {  	[tilespmem:v12+s25+$0x0] =	vst.idx.msk $0xffff, v11  }
0xfb: {  	v11 =	vld.idx.msk [tilespmem:v13+s2+$0x0], $0xffff  }
0xfc: {  	v12 =	vor.u32 $0xD, v1  }
0xfd: {  	v13 =	vadd.s32 $0xE, v9;
	_ =	sdelay $0x3  }
0xfe: {  	[tilespmem:v12+s25+$0x0] =	vst.idx.msk $0xffff, v11  }
0xff: {  	v11 =	vld.idx.msk [tilespmem:v13+s2+$0x0], $0xffff  }
0x100: {  	v12 =	vor.u32 $0xE, v1  }
0x101: {  	v13 =	vadd.s32 $0xF, v9;
	_ =	sdelay $0x3  }
0x102: {  	[tilespmem:v12+s25+$0x0] =	vst.idx.msk $0xffff, v11  }
0x103: {  	v11 =	vld.idx.msk [tilespmem:v13+s2+$0x0], $0xffff  }
0x104: {  	v12 =	vor.u32 $0xF, v1  }
0x105: {  	v9 =	vadd.s32 $0x10, v9;
	_ =	sdelay $0x3  }
0x106: {  	[tilespmem:v12+s25+$0x0] =	vst.idx.msk $0xffff, v11  }
0x107: {  	v9 =	vld.idx.msk [tilespmem:v9+s2+$0x0], $0xffff  }
0x108: {  	v11 =	vor.u32 $0x10, v1  }
0x109: {  	v10 =	vadd.s32 $0x231, v10;
	_ =	sdelay $0x3  }
0x10a: {  	[tilespmem:v11+s25+$0x0] =	vst.idx.msk $0xffff, v9  }
0x10b: {  	v9 =	vld.idx.msk [tilespmem:v10+s2+$0x0], $0xffff  }
0x10c: {  	v10 =	vor.u32 $0x11, v1  }
0x10d: {  	v11 =	vadd.s32 $0x233, v8;
	_ =	sdelay $0x3  }
0x10e: {  	[tilespmem:v10+s25+$0x0] =	vst.idx.msk $0xffff, v9  }
0x10f: {  	v9 =	vld.idx.msk [tilespmem:v11+s2+$0x0], $0xffff  }
0x110: {  	v10 =	vor.u32 $0x12, v1  }
0x111: {  	v11 =	vadd.s32 $0x234, v8;
	_ =	sdelay $0x3  }
0x112: {  	[tilespmem:v10+s25+$0x0] =	vst.idx.msk $0xffff, v9  }
0x113: {  	v9 =	vld.idx.msk [tilespmem:v11+s2+$0x0], $0xffff  }
0x114: {  	v10 =	vor.u32 $0x13, v1  }
0x115: {  	v11 =	vadd.s32 $0x235, v8;
	_ =	sdelay $0x3  }
0x116: {  	[tilespmem:v10+s25+$0x0] =	vst.idx.msk $0xffff, v9  }
0x117: {  	v9 =	vld.idx.msk [tilespmem:v11+s2+$0x0], $0xffff  }
0x118: {  	v10 =	vor.u32 $0x14, v1  }
0x119: {  	v8 =	vadd.s32 $0x236, v8;
	_ =	sdelay $0x3  }
0x11a: {  	[tilespmem:v10+s25+$0x0] =	vst.idx.msk $0xffff, v9  }
0x11b: {  	v8 =	vld.idx.msk [tilespmem:v8+s2+$0x0], $0xffff  }
0x11c: {  	v9 =	vor.u32 $0x15, v1  }
0x11d: {  	v10 =	vadd.s32 $0x253, v7;
	_ =	sdelay $0x3  }
0x11e: {  	[tilespmem:v9+s25+$0x0] =	vst.idx.msk $0xffff, v8  }
0x11f: {  	v8 =	vld.idx.msk [tilespmem:v10+s2+$0x0], $0xffff  }
0x120: {  	v9 =	vor.u32 $0x16, v1  }
0x121: {  	v7 =	vadd.s32 $0x254, v7;
	_ =	sdelay $0x3  }
0x122: {  	[tilespmem:v9+s25+$0x0] =	vst.idx.msk $0xffff, v8  }
0x123: {  	v7 =	vld.idx.msk [tilespmem:v7+s2+$0x0], $0xffff  }
0x124: {  	v8 =	vor.u32 $0x17, v1  }
0x125: {  	v9 =	vadd.s32 $0x259, v6;
	_ =	sdelay $0x3  }
0x126: {  	[tilespmem:v8+s25+$0x0] =	vst.idx.msk $0xffff, v7  }
0x127: {  	v7 =	vld.idx.msk [tilespmem:v9+s2+$0x0], $0xffff  }
0x128: {  	v8 =	vor.u32 $0x18, v1  }
0x129: {  	v6 =	vadd.s32 $0x25A, v6;
	_ =	sdelay $0x3  }
0x12a: {  	[tilespmem:v8+s25+$0x0] =	vst.idx.msk $0xffff, v7  }
0x12b: {  	v6 =	vld.idx.msk [tilespmem:v6+s2+$0x0], $0xffff  }
0x12c: {  	v5 =	vshll.u32 v5, $0x1;
	v7 =	vor.u32 $0x19, v1  }
0x12d: {  	v8 =	vadd.s32 $0x25F, v5;
	_ =	sdelay $0x3  }
0x12e: {  	[tilespmem:v7+s25+$0x0] =	vst.idx.msk $0xffff, v6  }
0x12f: {  	v6 =	vld.idx.msk [tilespmem:v8+s2+$0x0], $0xffff  }
0x130: {  	v7 =	vor.u32 $0x1A, v1  }
0x131: {  	v5 =	vadd.s32 $0x260, v5;
	_ =	sdelay $0x3  }
0x132: {  	[tilespmem:v7+s25+$0x0] =	vst.idx.msk $0xffff, v6  }
0x133: {  	v5 =	vld.idx.msk [tilespmem:v5+s2+$0x0], $0xffff  }
0x134: {  	v6 =	vor.u32 $0x1B, v1  }
0x135: {  	v7 =	vadd.s32 $0x265, v4;
	_ =	sdelay $0x3  }
0x136: {  	[tilespmem:v6+s25+$0x0] =	vst.idx.msk $0xffff, v5  }
0x137: {  	v5 =	vld.idx.msk [tilespmem:v7+s2+$0x0], $0xffff  }
0x138: {  	v6 =	vor.u32 $0x1C, v1  }
0x139: {  	v4 =	vadd.s32 $0x266, v4;
	_ =	sdelay $0x3  }
0x13a: {  	[tilespmem:v6+s25+$0x0] =	vst.idx.msk $0xffff, v5  }
0x13b: {  	v4 =	vld.idx.msk [tilespmem:v4+s2+$0x0], $0xffff  }
0x13c: {  	v5 =	vor.u32 $0x1D, v1  }
0x13d: {  	v6 =	vadd.s32 $0x26B, v3;
	_ =	sdelay $0x3  }
0x13e: {  	[tilespmem:v5+s25+$0x0] =	vst.idx.msk $0xffff, v4  }
0x13f: {  	v4 =	vld.idx.msk [tilespmem:v6+s2+$0x0], $0xffff  }
0x140: {  	v5 =	vor.u32 $0x1E, v1  }
0x141: {  	v3 =	vadd.s32 $0x26C, v3;
	_ =	sdelay $0x3  }
0x142: {  	[tilespmem:v5+s25+$0x0] =	vst.idx.msk $0xffff, v4  }
0x143: {  	v3 =	vld.idx.msk [tilespmem:v3+s2+$0x0], $0xffff  }
0x144: {  	v4 =	vor.u32 $0x1F, v1  }
0x145: {  	v5 =	vadd.s32 $0x271, v2;
	_ =	sdelay $0x3  }
0x146: {  	[tilespmem:v4+s25+$0x0] =	vst.idx.msk $0xffff, v3  }
0x147: {  	v3 =	vld.idx.msk [tilespmem:v5+s2+$0x0], $0xffff  }
0x148: {  	v4 =	vor.u32 $0x20, v1  }
0x149: {  	v5 =	vadd.s32 $0x272, v2;
	_ =	sdelay $0x3  }
0x14a: {  	[tilespmem:v4+s25+$0x0] =	vst.idx.msk $0xffff, v3  }
0x14b: {  	v3 =	vld.idx.msk [tilespmem:v5+s2+$0x0], $0xffff  }
0x14c: {  	v4 =	vor.u32 $0x21, v1  }
0x14d: {  	v5 =	vadd.s32 $0x273, v2;
	_ =	sdelay $0x3  }
0x14e: {  	[tilespmem:v4+s25+$0x0] =	vst.idx.msk $0xffff, v3  }
0x14f: {  	v3 =	vld.idx.msk [tilespmem:v5+s2+$0x0], $0xffff  }
0x150: {  	v4 =	vor.u32 $0x22, v1  }
0x151: {  	v5 =	vadd.s32 $0x274, v2;
	_ =	sdelay $0x3  }
0x152: {  	[tilespmem:v4+s25+$0x0] =	vst.idx.msk $0xffff, v3  }
0x153: {  	v3 =	vld.idx.msk [tilespmem:v5+s2+$0x0], $0xffff  }
0x154: {  	v4 =	vor.u32 $0x23, v1  }
0x155: {  	v5 =	vadd.s32 $0x275, v2;
	_ =	sdelay $0x3  }
0x156: {  	[tilespmem:v4+s25+$0x0] =	vst.idx.msk $0xffff, v3  }
0x157: {  	v3 =	vld.idx.msk [tilespmem:v5+s2+$0x0], $0xffff  }
0x158: {  	v4 =	vor.u32 $0x24, v1  }
0x159: {  	v5 =	vadd.s32 $0x276, v2;
	_ =	sdelay $0x3  }
0x15a: {  	[tilespmem:v4+s25+$0x0] =	vst.idx.msk $0xffff, v3  }
0x15b: {  	v3 =	vld.idx.msk [tilespmem:v5+s2+$0x0], $0xffff  }
0x15c: {  	v4 =	vor.u32 $0x25, v1  }
0x15d: {  	v5 =	vadd.s32 $0x277, v2;
	_ =	sdelay $0x3  }
0x15e: {  	[tilespmem:v4+s25+$0x0] =	vst.idx.msk $0xffff, v3  }
0x15f: {  	v3 =	vld.idx.msk [tilespmem:v5+s2+$0x0], $0xffff  }
0x160: {  	v4 =	vor.u32 $0x26, v1  }
0x161: {  	v5 =	vadd.s32 $0x278, v2;
	_ =	sdelay $0x3  }
0x162: {  	[tilespmem:v4+s25+$0x0] =	vst.idx.msk $0xffff, v3  }
0x163: {  	v3 =	vld.idx.msk [tilespmem:v5+s2+$0x0], $0xffff  }
0x164: {  	v4 =	vor.u32 $0x27, v1  }
0x165: {  	v5 =	vadd.s32 $0x279, v2;
	_ =	sdelay $0x3  }
0x166: {  	[tilespmem:v4+s25+$0x0] =	vst.idx.msk $0xffff, v3  }
0x167: {  	v3 =	vld.idx.msk [tilespmem:v5+s2+$0x0], $0xffff  }
0x168: {  	v4 =	vor.u32 $0x28, v1  }
0x169: {  	v2 =	vadd.s32 $0x27A, v2;
	_ =	sdelay $0x1  }
.Ltmp0:
0x16a: {  	(pc) =	sbr.rel @p0 .LBB2_2-.Ltmp0, $4  }
0x16b: {  	_ = 	snop  }
0x16c: {  	[tilespmem:v4+s25+$0x0] =	vst.idx.msk $0xffff, v3  }
0x16d: {  	v2 =	vld.idx.msk [tilespmem:v2+s2+$0x0], $0xffff  }
0x16e: {  	s31 =	smov.u32 s30;
	v1 =	vor.u32 $0x29, v1  }
0x16f: {  	_ =	sdelay $0x3  }
0x170: {  	s0 =	sshra.s32 s29, $0x2;
	[tilespmem:v1+s25+$0x0] =	vst.idx.msk $0xffff, v2  }
0x171: {  	v1 =	vld [tilespmem:s0+$0x400];
	_ =	sdelay $0x4  }
0x172: {  	v4 =	vmul.u32 $0x11, v1;
	_ =	sdelay $0x2  }
0x173: {  	s28 =	sadd.s32 $0x10, s28;
	v2 =	vld [tilespmem:s0+$0x1400]  }
0x174: {  	v3 =	vld [tilespmem:s0+$0x1200];
	v1 =	vmov s28  }
0x175: {  	v5 =	vld [tilespmem:s0+$0x1000];
	v1 =	vshll.u32 v1, $0x7  }
0x176: {  	v1 =	vor.u32 v0, v1;
	v6 =	vld.idx.msk [tilespmem:v4+s2+$0x0], $0xffff  }
0x177: {  	v7 =	vld [tilespmem:s0+$0xE00];
	v9 =	vadd.s32 $0x1, v4  }
0x178: {  	v8 =	vld [tilespmem:s0+$0xC00]  }
0x179: {  	v10 =	vld [tilespmem:s0+$0xA00]  }
0x17a: {  	v11 =	vld [tilespmem:s0+$0x800]  }
0x17b: {  	v12 =	vld [tilespmem:s0+$0x600];
	[tilespmem:v1+s25+$0x0] =	vst.idx.msk $0xffff, v6  }
0x17c: {  	v38 =	vor.u32 $0x1, v1;
	v6 =	vld.idx.msk [tilespmem:v9+s2+$0x0], $0xffff  }
0x17d: {  	v13 =	vadd.s32 $0x2, v4;
	_ =	sdelay $0x3  }
0x17e: {  	[tilespmem:v38+s25+$0x0] =	vst.idx.msk $0xffff, v6  }
0x17f: {  	v39 =	vor.u32 $0x2, v1;
	v6 =	vld.idx.msk [tilespmem:v13+s2+$0x0], $0xffff  }
0x180: {  	v40 =	vadd.s32 $0x3, v4;
	_ =	sdelay $0x3  }
0x181: {  	[tilespmem:v39+s25+$0x0] =	vst.idx.msk $0xffff, v6  }
0x182: {  	v41 =	vor.u32 $0x3, v1;
	v6 =	vld.idx.msk [tilespmem:v40+s2+$0x0], $0xffff  }
0x183: {  	v42 =	vadd.s32 $0x4, v4;
	_ =	sdelay $0x3  }
0x184: {  	[tilespmem:v41+s25+$0x0] =	vst.idx.msk $0xffff, v6  }
0x185: {  	v43 =	vor.u32 $0x4, v1;
	v6 =	vld.idx.msk [tilespmem:v42+s2+$0x0], $0xffff  }
0x186: {  	v44 =	vadd.s32 $0x5, v4;
	_ =	sdelay $0x3  }
0x187: {  	[tilespmem:v43+s25+$0x0] =	vst.idx.msk $0xffff, v6  }
0x188: {  	v45 =	vor.u32 $0x5, v1;
	v6 =	vld.idx.msk [tilespmem:v44+s2+$0x0], $0xffff  }
0x189: {  	v46 =	vadd.s32 $0x6, v4;
	_ =	sdelay $0x3  }
0x18a: {  	[tilespmem:v45+s25+$0x0] =	vst.idx.msk $0xffff, v6  }
0x18b: {  	v47 =	vor.u32 $0x6, v1;
	v6 =	vld.idx.msk [tilespmem:v46+s2+$0x0], $0xffff  }
0x18c: {  	v48 =	vadd.s32 $0x7, v4;
	_ =	sdelay $0x3  }
0x18d: {  	[tilespmem:v47+s25+$0x0] =	vst.idx.msk $0xffff, v6  }
0x18e: {  	v49 =	vor.u32 $0x7, v1;
	v6 =	vld.idx.msk [tilespmem:v48+s2+$0x0], $0xffff  }
0x18f: {  	v50 =	vadd.s32 $0x8, v4;
	_ =	sdelay $0x3  }
0x190: {  	[tilespmem:v49+s25+$0x0] =	vst.idx.msk $0xffff, v6  }
0x191: {  	v51 =	vor.u32 $0x8, v1;
	v6 =	vld.idx.msk [tilespmem:v50+s2+$0x0], $0xffff  }
0x192: {  	v52 =	vadd.s32 $0x9, v4;
	_ =	sdelay $0x3  }
0x193: {  	[tilespmem:v51+s25+$0x0] =	vst.idx.msk $0xffff, v6  }
0x194: {  	v53 =	vor.u32 $0x9, v1;
	v6 =	vld.idx.msk [tilespmem:v52+s2+$0x0], $0xffff  }
0x195: {  	v54 =	vadd.s32 $0xA, v4;
	_ =	sdelay $0x3  }
0x196: {  	[tilespmem:v53+s25+$0x0] =	vst.idx.msk $0xffff, v6  }
0x197: {  	v55 =	vor.u32 $0xA, v1;
	v6 =	vld.idx.msk [tilespmem:v54+s2+$0x0], $0xffff  }
0x198: {  	v56 =	vadd.s32 $0xB, v4;
	_ =	sdelay $0x3  }
0x199: {  	[tilespmem:v55+s25+$0x0] =	vst.idx.msk $0xffff, v6  }
0x19a: {  	v57 =	vor.u32 $0xB, v1;
	v6 =	vld.idx.msk [tilespmem:v56+s2+$0x0], $0xffff  }
0x19b: {  	v58 =	vadd.s32 $0xC, v4;
	_ =	sdelay $0x3  }
0x19c: {  	[tilespmem:v57+s25+$0x0] =	vst.idx.msk $0xffff, v6  }
0x19d: {  	v59 =	vor.u32 $0xC, v1;
	v6 =	vld.idx.msk [tilespmem:v58+s2+$0x0], $0xffff  }
0x19e: {  	v60 =	vadd.s32 $0xD, v4;
	_ =	sdelay $0x3  }
0x19f: {  	[tilespmem:v59+s25+$0x0] =	vst.idx.msk $0xffff, v6  }
0x1a0: {  	v61 =	vor.u32 $0xD, v1;
	v6 =	vld.idx.msk [tilespmem:v60+s2+$0x0], $0xffff  }
0x1a1: {  	v62 =	vadd.s32 $0xE, v4;
	_ =	sdelay $0x3  }
0x1a2: {  	[tilespmem:v61+s25+$0x0] =	vst.idx.msk $0xffff, v6  }
0x1a3: {  	v63 =	vor.u32 $0xE, v1;
	v6 =	vld.idx.msk [tilespmem:v62+s2+$0x0], $0xffff  }
0x1a4: {  	v16 =	vadd.s32 $0xF, v4;
	_ =	sdelay $0x3  }
0x1a5: {  	[tilespmem:v63+s25+$0x0] =	vst.idx.msk $0xffff, v6  }
0x1a6: {  	v17 =	vor.u32 $0xF, v1;
	v6 =	vld.idx.msk [tilespmem:v16+s2+$0x0], $0xffff  }
0x1a7: {  	v4 =	vadd.s32 $0x10, v4;
	_ =	sdelay $0x3  }
0x1a8: {  	[tilespmem:v17+s25+$0x0] =	vst.idx.msk $0xffff, v6  }
0x1a9: {  	v18 =	vor.u32 $0x10, v1;
	v4 =	vld.idx.msk [tilespmem:v4+s2+$0x0], $0xffff  }
0x1aa: {  	v19 =	vadd.s32 $0x231, v12;
	_ =	sdelay $0x3  }
0x1ab: {  	[tilespmem:v18+s25+$0x0] =	vst.idx.msk $0xffff, v4  }
0x1ac: {  	v20 =	vshll.u32 v11, $0x2;
	v21 =	vor.u32 $0x11, v1;
	v6 =	vld.idx.msk [tilespmem:v19+s2+$0x0], $0xffff  }
0x1ad: {  	v11 =	vadd.s32 $0x233, v20;
	_ =	sdelay $0x3  }
0x1ae: {  	[tilespmem:v21+s25+$0x0] =	vst.idx.msk $0xffff, v6  }
0x1af: {  	v22 =	vor.u32 $0x12, v1;
	v6 =	vld.idx.msk [tilespmem:v11+s2+$0x0], $0xffff  }
0x1b0: {  	v23 =	vadd.s32 $0x234, v20;
	_ =	sdelay $0x3  }
0x1b1: {  	[tilespmem:v22+s25+$0x0] =	vst.idx.msk $0xffff, v6  }
0x1b2: {  	v24 =	vor.u32 $0x13, v1;
	v6 =	vld.idx.msk [tilespmem:v23+s2+$0x0], $0xffff  }
0x1b3: {  	v25 =	vadd.s32 $0x235, v20;
	_ =	sdelay $0x3  }
0x1b4: {  	[tilespmem:v24+s25+$0x0] =	vst.idx.msk $0xffff, v6  }
0x1b5: {  	v26 =	vor.u32 $0x14, v1;
	v6 =	vld.idx.msk [tilespmem:v25+s2+$0x0], $0xffff  }
0x1b6: {  	v4 =	vadd.s32 $0x236, v20;
	_ =	sdelay $0x3  }
0x1b7: {  	[tilespmem:v26+s25+$0x0] =	vst.idx.msk $0xffff, v6  }
0x1b8: {  	v27 =	vshll.u32 v10, $0x1;
	v28 =	vor.u32 $0x15, v1;
	v4 =	vld.idx.msk [tilespmem:v4+s2+$0x0], $0xffff  }
0x1b9: {  	v10 =	vadd.s32 $0x253, v27;
	_ =	sdelay $0x3  }
0x1ba: {  	[tilespmem:v28+s25+$0x0] =	vst.idx.msk $0xffff, v4  }
0x1bb: {  	v29 =	vor.u32 $0x16, v1;
	v4 =	vld.idx.msk [tilespmem:v10+s2+$0x0], $0xffff  }
0x1bc: {  	v6 =	vadd.s32 $0x254, v27;
	_ =	sdelay $0x3  }
0x1bd: {  	[tilespmem:v29+s25+$0x0] =	vst.idx.msk $0xffff, v4  }
0x1be: {  	v30 =	vshll.u32 v8, $0x1;
	v31 =	vor.u32 $0x17, v1;
	v6 =	vld.idx.msk [tilespmem:v6+s2+$0x0], $0xffff  }
0x1bf: {  	v32 =	vadd.s32 $0x259, v30;
	_ =	sdelay $0x3  }
0x1c0: {  	[tilespmem:v31+s25+$0x0] =	vst.idx.msk $0xffff, v6  }
0x1c1: {  	v33 =	vor.u32 $0x18, v1;
	v6 =	vld.idx.msk [tilespmem:v32+s2+$0x0], $0xffff  }
0x1c2: {  	v4 =	vadd.s32 $0x25A, v30;
	_ =	sdelay $0x3  }
0x1c3: {  	[tilespmem:v33+s25+$0x0] =	vst.idx.msk $0xffff, v6  }
0x1c4: {  	v7 =	vshll.u32 v7, $0x1;
	v34 =	vor.u32 $0x19, v1;
	v4 =	vld.idx.msk [tilespmem:v4+s2+$0x0], $0xffff  }
0x1c5: {  	v35 =	vadd.s32 $0x25F, v7;
	_ =	sdelay $0x3  }
0x1c6: {  	[tilespmem:v34+s25+$0x0] =	vst.idx.msk $0xffff, v4  }
0x1c7: {  	v36 =	vor.u32 $0x1A, v1;
	v4 =	vld.idx.msk [tilespmem:v35+s2+$0x0], $0xffff  }
0x1c8: {  	v7 =	vadd.s32 $0x260, v7;
	_ =	sdelay $0x3  }
0x1c9: {  	[tilespmem:v36+s25+$0x0] =	vst.idx.msk $0xffff, v4  }
0x1ca: {  	v37 =	vshll.u32 v5, $0x1;
	v39 =	vor.u32 $0x1B, v1;
	v38 =	vld.idx.msk [tilespmem:v7+s2+$0x0], $0xffff  }
0x1cb: {  	v40 =	vadd.s32 $0x265, v37;
	_ =	sdelay $0x3  }
0x1cc: {  	[tilespmem:v39+s25+$0x0] =	vst.idx.msk $0xffff, v38  }
0x1cd: {  	v41 =	vor.u32 $0x1C, v1;
	v5 =	vld.idx.msk [tilespmem:v40+s2+$0x0], $0xffff  }
0x1ce: {  	v4 =	vadd.s32 $0x266, v37;
	_ =	sdelay $0x3  }
0x1cf: {  	[tilespmem:v41+s25+$0x0] =	vst.idx.msk $0xffff, v5  }
0x1d0: {  	v3 =	vshll.u32 v3, $0x1;
	v42 =	vor.u32 $0x1D, v1;
	v4 =	vld.idx.msk [tilespmem:v4+s2+$0x0], $0xffff  }
0x1d1: {  	v43 =	vadd.s32 $0x26B, v3;
	_ =	sdelay $0x3  }
0x1d2: {  	[tilespmem:v42+s25+$0x0] =	vst.idx.msk $0xffff, v4  }
0x1d3: {  	v44 =	vor.u32 $0x1E, v1;
	v4 =	vld.idx.msk [tilespmem:v43+s2+$0x0], $0xffff  }
0x1d4: {  	v3 =	vadd.s32 $0x26C, v3;
	_ =	sdelay $0x3  }
0x1d5: {  	v2 =	vmul.u32 $0xA, v2;
	[tilespmem:v44+s25+$0x0] =	vst.idx.msk $0xffff, v4  }
0x1d6: {  	v45 =	vor.u32 $0x1F, v1;
	v3 =	vld.idx.msk [tilespmem:v3+s2+$0x0], $0xffff  }
0x1d7: {  	v46 =	vadd.s32 $0x271, v2;
	_ =	sdelay $0x3  }
0x1d8: {  	[tilespmem:v45+s25+$0x0] =	vst.idx.msk $0xffff, v3  }
0x1d9: {  	v47 =	vor.u32 $0x20, v1;
	v3 =	vld.idx.msk [tilespmem:v46+s2+$0x0], $0xffff  }
0x1da: {  	v48 =	vadd.s32 $0x272, v2;
	_ =	sdelay $0x3  }
0x1db: {  	[tilespmem:v47+s25+$0x0] =	vst.idx.msk $0xffff, v3  }
0x1dc: {  	v49 =	vor.u32 $0x21, v1;
	v3 =	vld.idx.msk [tilespmem:v48+s2+$0x0], $0xffff  }
0x1dd: {  	v50 =	vadd.s32 $0x273, v2;
	_ =	sdelay $0x3  }
0x1de: {  	[tilespmem:v49+s25+$0x0] =	vst.idx.msk $0xffff, v3  }
0x1df: {  	v51 =	vor.u32 $0x22, v1;
	v3 =	vld.idx.msk [tilespmem:v50+s2+$0x0], $0xffff  }
0x1e0: {  	v52 =	vadd.s32 $0x274, v2;
	_ =	sdelay $0x3  }
0x1e1: {  	[tilespmem:v51+s25+$0x0] =	vst.idx.msk $0xffff, v3  }
0x1e2: {  	v53 =	vor.u32 $0x23, v1;
	v3 =	vld.idx.msk [tilespmem:v52+s2+$0x0], $0xffff  }
0x1e3: {  	v54 =	vadd.s32 $0x275, v2;
	_ =	sdelay $0x3  }
0x1e4: {  	[tilespmem:v53+s25+$0x0] =	vst.idx.msk $0xffff, v3  }
0x1e5: {  	v55 =	vor.u32 $0x24, v1;
	v3 =	vld.idx.msk [tilespmem:v54+s2+$0x0], $0xffff  }
0x1e6: {  	v56 =	vadd.s32 $0x276, v2;
	_ =	sdelay $0x3  }
0x1e7: {  	[tilespmem:v55+s25+$0x0] =	vst.idx.msk $0xffff, v3  }
0x1e8: {  	v57 =	vor.u32 $0x25, v1;
	v3 =	vld.idx.msk [tilespmem:v56+s2+$0x0], $0xffff  }
0x1e9: {  	v58 =	vadd.s32 $0x277, v2;
	_ =	sdelay $0x3  }
0x1ea: {  	[tilespmem:v57+s25+$0x0] =	vst.idx.msk $0xffff, v3  }
0x1eb: {  	v59 =	vor.u32 $0x26, v1;
	v3 =	vld.idx.msk [tilespmem:v58+s2+$0x0], $0xffff  }
0x1ec: {  	v60 =	vadd.s32 $0x278, v2;
	_ =	sdelay $0x3  }
0x1ed: {  	[tilespmem:v59+s25+$0x0] =	vst.idx.msk $0xffff, v3  }
0x1ee: {  	v61 =	vor.u32 $0x27, v1;
	v3 =	vld.idx.msk [tilespmem:v60+s2+$0x0], $0xffff  }
0x1ef: {  	v62 =	vadd.s32 $0x279, v2;
	_ =	sdelay $0x3  }
0x1f0: {  	[tilespmem:v61+s25+$0x0] =	vst.idx.msk $0xffff, v3  }
0x1f1: {  	v63 =	vor.u32 $0x28, v1;
	v3 =	vld.idx.msk [tilespmem:v62+s2+$0x0], $0xffff  }
0x1f2: {  	v2 =	vadd.s32 $0x27A, v2;
	_ =	sdelay $0x3  }
0x1f3: {  	[tilespmem:v63+s25+$0x0] =	vst.idx.msk $0xffff, v3  }
0x1f4: {  	v1 =	vor.u32 $0x29, v1;
	v2 =	vld.idx.msk [tilespmem:v2+s2+$0x0], $0xffff;
	_ =	sdelay $0x2  }
0x1f5: {  	s26 =	sadd.s32 $0x1, s26  }
0x1f6: {  	p0 =	sne.s32 s26, s14  }
.Ltmp1:
0x1f7: {  	[tilespmem:v1+s25+$0x0] =	vst.idx.msk $0xffff, v2;
	(pc) =	sbr.rel @p0 .LBB2_1-.Ltmp1, $4  }
0x1f8: {  	[hbm4b:s13+s2] =	stream.linear.scatter [tilespmem:s25], [sflag:$0x1], $0x10000, $0x38;
	[tilespmem:$0x11600] =	vst v63  }
0x1f9: {  	_ =	swait.ge [sflag:s15], $0x10000  }
0x1fa: {  	[sflag:s15] =	ssyncset.done $0x0  }
0x1fb: {  	[sflag:s15] =	ssyncadd.s32 $0xFFFF0000  }
0x1fc: {  	_ =	sfence.sel $0x180000  }
0x1fd: {  	[bflag:$0x0] =	sbarrier.arrive $0xFFFF  }
0x1fe: {  	_ =	strace $0x90000047  }
0x1ff: {  	[bflag:$0x2] =	sbarrier.arrive $0xFFFF  }
0x200: {  	p0 =	sne.s32 s1, $0x0;
	s0 =	rddreg [dreg:$0x2]  }
0x201: {  	s0 =	sadd.s32 @!p0 $0x100000, s0  }
0x202: {  	[sflag:s0] =	ssyncadd.tile.s32 @!p0 $0x1;
	_ =	shalt  }
.Lfunc_end2:
_tile_overlayer_lowered:
.L_overlay_start_2:
0x203: {  	(tag) =	ssettag $0x2  }
0x204: {  	s0 =	rddreg [dreg:$0x0];
	s2 =	stileid.u32  }
0x205: {  	s1 =	rddreg [dreg:$0x1];
	p0 =	sne.s32 s2, $0x0  }
0x206: {  	s3 =	rddreg [dreg:$0x2];
	[bflag:$0x3] =	sbarrier.arrive $0xFFFF;
	s2 =	simm.s32 @!p0 $0x1C01  }
0x207: {  	[timem:s3], [sflag:s2] =	dma.local @!p0 [hbm:s0], s1  }
0x208: {  	s0 =	simm.s32 @!p0 $0x1  }
0x209: {  	_ =	swait.ge @!p0 [sflag:s0], s1  }
0x20a: {  	s1 =	ssub.s32 @!p0 $0x0, s1;
	[sflag:s0] =	ssyncset.done @!p0 $0x0  }
0x20b: {  	[sflag:s0] =	ssyncadd.s32 @!p0 s1  }
0x20c: {  	[bflag:$0x3] =	sbarrier.arrive $0xFFFF  }
0x20d: {  	_ =	shalt  }

</sc_bundles>
